<compile_context>
chip_gen: v7x
topology: tpu7x:2x2x1
jax: 0.10.2.dev20260603
libtpu: 0.0.44.dev20260713+nightly
codegen_flags: <defaults>
</compile_context>

<pallas_src>
import functools

import jax
import jax.numpy as jnp
from jax import lax
from jax.experimental import pallas as pl
from jax.experimental.pallas import tpu as pltpu
from jax.experimental.pallas import tpu_sc as plsc

_MM_BLK = 8000
_LANES = 128


def _mm_body(x_ref, w_ref, o_ref):
    o_ref[...] = jnp.dot(x_ref[...], w_ref[...],
                         preferred_element_type=jnp.float32)


def _project_table(table, W):
    num, dim = table.shape
    w128 = jnp.concatenate(
        [W.T, jnp.zeros((dim, _LANES - W.shape[0]), jnp.float32)], axis=1)
    return pl.pallas_call(
        _mm_body,
        grid=(num // _MM_BLK,),
        in_specs=[
            pl.BlockSpec((_MM_BLK, dim), lambda i: (i, 0)),
            pl.BlockSpec((dim, _LANES), lambda i: (0, 0)),
        ],
        out_specs=pl.BlockSpec((_MM_BLK, _LANES), lambda i: (i, 0)),
        out_shape=jax.ShapeDtypeStruct((num, _LANES), jnp.float32),
    )(table, w128)


def _make_gather(b, l, dim, nb):
    info = plsc.get_sparse_core_info()
    nw = info.num_cores * info.num_subcores
    rows_w = b // nw
    chunk = nb * l
    n_vec = chunk // 16
    n_chunks = rows_w // nb
    assert rows_w % nb == 0 and n_chunks % 2 == 0 and chunk % 16 == 0
    n_outer = n_chunks // 2
    mesh = plsc.VectorSubcoreMesh(core_axis_name="c", subcore_axis_name="s")

    @functools.partial(
        pl.kernel,
        mesh=mesh,
        out_type=jax.ShapeDtypeStruct((b, l, dim), jnp.float32),
        scratch_types=[
            pltpu.VMEM((8, _LANES), jnp.int32),
            pltpu.VMEM((8, _LANES), jnp.int32),
            pltpu.VMEM((nb, _LANES), jnp.int32),
            pltpu.VMEM((nb, _LANES), jnp.int32),
            pltpu.VMEM((chunk,), jnp.int32),
            pltpu.VMEM((chunk,), jnp.int32),
            pltpu.VMEM((chunk, _LANES), jnp.float32),
            pltpu.VMEM((chunk, _LANES), jnp.float32),
            pltpu.SemaphoreType.DMA,
            pltpu.SemaphoreType.DMA,
            pltpu.SemaphoreType.DMA,
            pltpu.SemaphoreType.DMA,
            pltpu.SemaphoreType.DMA,
            pltpu.SemaphoreType.DMA,
        ],
        compiler_params=pltpu.CompilerParams(use_tc_tiling_on_sc=False,
                                             needs_layout_passes=False),
    )
    def gather(tab_hbm, idx_hbm, rp_hbm, cp_hbm, out_hbm, rpv, cpv,
               idxv0, idxv1, list0, list1, rows0, rows1,
               isem0, isem1, gsem0, gsem1, osem0, osem1):
        pltpu.sync_copy(rp_hbm, rpv)
        pltpu.sync_copy(cp_hbm, cpv)
        idxv = (idxv0, idxv1)
        lists = (list0, list1)
        rows = (rows0, rows1)
        isem = (isem0, isem1)
        gsem = (gsem0, gsem1)
        osem = (osem0, osem1)
        wid = lax.axis_index("s") * info.num_cores + lax.axis_index("c")
        row0 = wid * rows_w

        def stage_idx(g, b_):
            pltpu.async_copy(idx_hbm.at[pl.ds(row0 + g * nb, nb)], idxv[b_],
                             isem[b_])

        def wait_idx(g, b_):
            pltpu.make_async_copy(idx_hbm.at[pl.ds(row0 + g * nb, nb)],
                                  idxv[b_], isem[b_]).wait()

        def compact(b_):
            for c in range(n_vec):
                p = c * 16
                rv = rpv[p // _LANES, pl.ds(p % _LANES, 16)]
                cv = cpv[p // _LANES, pl.ds(p % _LANES, 16)]
                lists[b_][pl.ds(c * 16, 16)] = plsc.load_gather(
                    idxv[b_], [rv, cv])

        def fire_gather(b_):
            pltpu.async_copy(tab_hbm.at[lists[b_]], rows[b_], gsem[b_])

        def wait_gather(b_):
            pltpu.make_async_copy(tab_hbm.at[lists[b_]], rows[b_],
                                  gsem[b_]).wait()

        def fire_puts(g, b_):
            for k in range(nb):
                pltpu.async_copy(
                    rows[b_].at[pl.ds(k * l, l), pl.ds(0, dim)],
                    out_hbm.at[row0 + g * nb + k], osem[b_])

        def wait_puts(g, b_):
            for k in range(nb):
                pltpu.make_async_copy(
                    rows[b_].at[pl.ds(k * l, l), pl.ds(0, dim)],
                    out_hbm.at[row0 + g * nb + k], osem[b_]).wait()

        stage_idx(0, 0)
        stage_idx(1, 1)

        def body(i, carry):
            g = i * 2
            wait_idx(g, 0)
            compact(0)
            fire_gather(0)
            wait_gather(0)

            @pl.when(i + 1 < n_outer)
            def _():
                stage_idx(g + 2, 0)

            fire_puts(g, 0)
            wait_idx(g + 1, 1)
            compact(1)
            fire_gather(1)
            wait_gather(1)

            @pl.when(i + 1 < n_outer)
            def _():
                stage_idx(g + 3, 1)

            fire_puts(g + 1, 1)
            wait_puts(g, 0)
            wait_puts(g + 1, 1)
            return carry

        lax.fori_loop(0, n_outer, body, 0)

    return gather


def kernel(indexes, table, W):
    b, l = indexes.shape
    num, dim = table.shape
    P128 = _project_table(table, W)
    idx128 = jnp.concatenate(
        [indexes.astype(jnp.int32),
         jnp.zeros((b, _LANES - l), jnp.int32)], axis=1)
    e = jnp.arange(8 * _LANES, dtype=jnp.int32)
    rp = (e // l).reshape(8, _LANES)
    cp = (e % l).reshape(8, _LANES)
    return _make_gather(b, l, dim, 8)(P128, idx128, rp, cp)

# --- scband reference (transcript-rebuilt; emitter-appended) ---
"""Pipeline reference for scband-embedding-layer-37538014167772 (READ-ONLY COPY).

The authoritative reference and input builder live on the scoring server;
editing this copy changes nothing except your own understanding.
"""

import jax, jax.numpy as jnp
import numpy as np

NUM = 1000000
DIM = 32
PROJ_DIM = 32
B = 16384
L = 50

def setup_inputs(seed: int = 0) -> dict:
    key = jax.random.key(seed)
    k_idx, k_tab, k_w = jax.random.split(key, 3)
    indexes = jax.random.randint(k_idx, (B, L), 0, NUM, dtype=jnp.int64 if jax.config.jax_enable_x64 else jnp.int32)
    table = jax.random.normal(k_tab, (NUM, DIM), dtype=jnp.float32) * 0.1
    # torch Linear weight layout: [out_features, in_features]
    W = jax.random.normal(k_w, (PROJ_DIM, DIM), dtype=jnp.float32) * (1.0 / np.sqrt(DIM))
    return {"indexes": indexes, "table": table, "W": W}

def reference(indexes, table, W):
    # embedding lookup (gather)
    emb = jnp.take(table, indexes, axis=0)  # [B, L, DIM]
    # projection: Linear without bias, y = x @ W^T
    out = emb @ W.T  # [B, L, PROJ_DIM]
    return out

if __name__ == "__main__":
    import jax
    _d = setup_inputs()
    print(jax.jit(kernel)(*tuple(_d.values())))

</pallas_src>

<mosaic_0001>
#map = affine_map<(d0, d1) -> (0, 0)>
#map1 = affine_map<(d0, d1) -> (0, 0, 0)>
module attributes {stable_mosaic.version = 14 : i64} {
  func.func @gather(%arg0: i32, %arg1: i32, %arg2: memref<1000000x128xf32, #tpu.memory_space<hbm>>, %arg3: memref<16384x128xi32, #tpu.memory_space<hbm>>, %arg4: memref<8x128xi32, #tpu.memory_space<hbm>>, %arg5: memref<8x128xi32, #tpu.memory_space<hbm>>, %arg6: memref<16384x50x32xf32, #tpu.memory_space<hbm>>, %arg7: memref<8x128xi32, #tpu.memory_space<vmem>>, %arg8: memref<8x128xi32, #tpu.memory_space<vmem>>, %arg9: memref<8x128xi32, #tpu.memory_space<vmem>>, %arg10: memref<8x128xi32, #tpu.memory_space<vmem>>, %arg11: memref<400xi32, #tpu.memory_space<vmem>>, %arg12: memref<400xi32, #tpu.memory_space<vmem>>, %arg13: memref<400x128xf32, #tpu.memory_space<vmem>>, %arg14: memref<400x128xf32, #tpu.memory_space<vmem>>, %arg15: memref<!tpu.dma_semaphore, #tpu.memory_space<semaphore_mem>>, %arg16: memref<!tpu.dma_semaphore, #tpu.memory_space<semaphore_mem>>, %arg17: memref<!tpu.dma_semaphore, #tpu.memory_space<semaphore_mem>>, %arg18: memref<!tpu.dma_semaphore, #tpu.memory_space<semaphore_mem>>, %arg19: memref<!tpu.dma_semaphore, #tpu.memory_space<semaphore_mem>>, %arg20: memref<!tpu.dma_semaphore, #tpu.memory_space<semaphore_mem>>) attributes {dimension_semantics = [#tpu.dimension_semantics<core_parallel>, #tpu.dimension_semantics<subcore_parallel>], iteration_bounds = array<i64: 2, 16>, scalar_prefetch = 0 : i64, scratch_operands = 14 : i64, tpu.core_type = #tpu.core_type<sc_vector_subcore>, window_params = [{transform_indices = #map}, {transform_indices = #map}, {transform_indices = #map}, {transform_indices = #map}, {transform_indices = #map1}]} {
    "tpu.region"() ({
      %run_scoped3A = tpu.sem_alloc : memref<!tpu.dma_semaphore, #tpu.memory_space<semaphore_mem>>
      tpu.enqueue_dma source(%arg4 : memref<8x128xi32, #tpu.memory_space<hbm>>) target(%arg7 : memref<8x128xi32, #tpu.memory_space<vmem>>) target_semaphore(%run_scoped3A : memref<!tpu.dma_semaphore, #tpu.memory_space<semaphore_mem>>)
      tpu.wait_dma2 semaphore(%run_scoped3A : memref<!tpu.dma_semaphore, #tpu.memory_space<semaphore_mem>>) src(%arg4 : memref<8x128xi32, #tpu.memory_space<hbm>>) dst(%arg7 : memref<8x128xi32, #tpu.memory_space<vmem>>)
      tpu.yield
    }) : () -> ()
    "tpu.region"() ({
      %run_scoped3A = tpu.sem_alloc : memref<!tpu.dma_semaphore, #tpu.memory_space<semaphore_mem>>
      tpu.enqueue_dma source(%arg5 : memref<8x128xi32, #tpu.memory_space<hbm>>) target(%arg8 : memref<8x128xi32, #tpu.memory_space<vmem>>) target_semaphore(%run_scoped3A : memref<!tpu.dma_semaphore, #tpu.memory_space<semaphore_mem>>)
      tpu.wait_dma2 semaphore(%run_scoped3A : memref<!tpu.dma_semaphore, #tpu.memory_space<semaphore_mem>>) src(%arg5 : memref<8x128xi32, #tpu.memory_space<hbm>>) dst(%arg8 : memref<8x128xi32, #tpu.memory_space<vmem>>)
      tpu.yield
    }) : () -> ()
    %mul3A = arith.constant 2 : i32
    %mul3A_0 = arith.muli %arg1, %mul3A : i32
    %add3A = arith.addi %mul3A_0, %arg0 : i32
    %mul3A_1 = arith.constant 512 : i32
    %mul3A_2 = arith.muli %add3A, %mul3A_1 : i32
    %add3A_3 = arith.constant 0 : i32
    %add3A_4 = arith.addi %mul3A_2, %add3A_3 : i32
    %dma_start3A = arith.constant 0 : i32
    %dma_start3A_5 = tpu.memref_slice %arg3[%add3A_4, %dma_start3A] : memref<16384x128xi32, #tpu.memory_space<hbm>> -> memref<8x128xi32, #tpu.memory_space<hbm>>
    %dma_start3A_6 = arith.constant 0 : i32
    %dma_start3A_7 = tpu.memref_slice %arg3[%add3A_4, %dma_start3A_6] : memref<16384x128xi32, #tpu.memory_space<hbm>> -> memref<8x128xi32, #tpu.memory_space<hbm>>
    tpu.enqueue_dma source(%dma_start3A_7 : memref<8x128xi32, #tpu.memory_space<hbm>>) target(%arg9 : memref<8x128xi32, #tpu.memory_space<vmem>>) target_semaphore(%arg15 : memref<!tpu.dma_semaphore, #tpu.memory_space<semaphore_mem>>)
    %add3A_8 = arith.constant 8 : i32
    %add3A_9 = arith.addi %mul3A_2, %add3A_8 : i32
    %dma_start3A_10 = arith.constant 0 : i32
    %dma_start3A_11 = tpu.memref_slice %arg3[%add3A_9, %dma_start3A_10] : memref<16384x128xi32, #tpu.memory_space<hbm>> -> memref<8x128xi32, #tpu.memory_space<hbm>>
    %dma_start3A_12 = arith.constant 0 : i32
    %dma_start3A_13 = tpu.memref_slice %arg3[%add3A_9, %dma_start3A_12] : memref<16384x128xi32, #tpu.memory_space<hbm>> -> memref<8x128xi32, #tpu.memory_space<hbm>>
    tpu.enqueue_dma source(%dma_start3A_13 : memref<8x128xi32, #tpu.memory_space<hbm>>) target(%arg10 : memref<8x128xi32, #tpu.memory_space<vmem>>) target_semaphore(%arg16 : memref<!tpu.dma_semaphore, #tpu.memory_space<semaphore_mem>>)
    %scan3A = arith.constant 0 : i32
    %scan3A_14 = arith.constant 0 : i32
    %scan3A_15 = arith.constant 32 : i32
    %scan3A_16 = arith.addi %scan3A_14, %scan3A_15 : i32
    %scan3A_17 = arith.constant 1 : i32
    scf.for %scan3A_19 = %scan3A_14 to %scan3A_16 step %scan3A_17  : i32 {
      %mul3A_20 = arith.constant 2 : i32
      %mul3A_21 = arith.muli %scan3A_19, %mul3A_20 : i32
      %mul3A_22 = arith.constant 8 : i32
      %mul3A_23 = arith.muli %mul3A_21, %mul3A_22 : i32
      %add3A_24 = arith.addi %mul3A_2, %mul3A_23 : i32
      %dma_wait3A = arith.constant 0 : i32
      %dma_wait3A_25 = tpu.memref_slice %arg3[%add3A_24, %dma_wait3A] : memref<16384x128xi32, #tpu.memory_space<hbm>> -> memref<8x128xi32, #tpu.memory_space<hbm>>
      %dma_wait3A_26 = arith.constant 0 : i32
      %dma_wait3A_27 = tpu.memref_slice %arg3[%add3A_24, %dma_wait3A_26] : memref<16384x128xi32, #tpu.memory_space<hbm>> -> memref<8x128xi32, #tpu.memory_space<hbm>>
      tpu.wait_dma2 semaphore(%arg15 : memref<!tpu.dma_semaphore, #tpu.memory_space<semaphore_mem>>) src(%dma_wait3A_27 : memref<8x128xi32, #tpu.memory_space<hbm>>) dst(%arg9 : memref<8x128xi32, #tpu.memory_space<vmem>>)
      %get3A = arith.constant 0 : i32
      %get3A_28 = arith.index_cast %get3A : i32 to index
      %get3A_29 = arith.constant 0 : index
      %get3A_30 = tpu.vector_load %arg7[%get3A_28, %get3A_29] {strides = array<i32>} : memref<8x128xi32, #tpu.memory_space<vmem>>, vector<16xi32>,
      %get3A_31 = arith.constant 0 : i32
      %get3A_32 = arith.index_cast %get3A_31 : i32 to index
      %get3A_33 = arith.constant 0 : index
      %get3A_34 = tpu.vector_load %arg8[%get3A_32, %get3A_33] {strides = array<i32>} : memref<8x128xi32, #tpu.memory_space<vmem>>, vector<16xi32>,
      %gather3A = tpu.vector_load_idx %arg9[%get3A_30, %get3A_34] : memref<8x128xi32, #tpu.memory_space<vmem>>[vector<16xi32>, vector<16xi32>], vector<16xi32>,
      %swap3A = arith.constant 0 : index
      %swap3A_35 = tpu.vector_load %arg11[%swap3A] {strides = array<i32>} : memref<400xi32, #tpu.memory_space<vmem>>, vector<16xi32>,
      tpu.vector_store %arg11[%swap3A], %gather3A {strides = array<i32>} : memref<400xi32, #tpu.memory_space<vmem>>, vector<16xi32>,
      %get3A_36 = arith.constant 0 : i32
      %get3A_37 = arith.index_cast %get3A_36 : i32 to index
      %get3A_38 = arith.constant 16 : index
      %get3A_39 = tpu.vector_load %arg7[%get3A_37, %get3A_38] {strides = array<i32>} : memref<8x128xi32, #tpu.memory_space<vmem>>, vector<16xi32>,
      %get3A_40 = arith.constant 0 : i32
      %get3A_41 = arith.index_cast %get3A_40 : i32 to index
      %get3A_42 = arith.constant 16 : index
      %get3A_43 = tpu.vector_load %arg8[%get3A_41, %get3A_42] {strides = array<i32>} : memref<8x128xi32, #tpu.memory_space<vmem>>, vector<16xi32>,
      %gather3A_44 = tpu.vector_load_idx %arg9[%get3A_39, %get3A_43] : memref<8x128xi32, #tpu.memory_space<vmem>>[vector<16xi32>, vector<16xi32>], vector<16xi32>,
      %swap3A_45 = arith.constant 16 : index
      %swap3A_46 = tpu.vector_load %arg11[%swap3A_45] {strides = array<i32>} : memref<400xi32, #tpu.memory_space<vmem>>, vector<16xi32>,
      tpu.vector_store %arg11[%swap3A_45], %gather3A_44 {strides = array<i32>} : memref<400xi32, #tpu.memory_space<vmem>>, vector<16xi32>,
      %get3A_47 = arith.constant 0 : i32
      %get3A_48 = arith.index_cast %get3A_47 : i32 to index
      %get3A_49 = arith.constant 32 : index
      %get3A_50 = tpu.vector_load %arg7[%get3A_48, %get3A_49] {strides = array<i32>} : memref<8x128xi32, #tpu.memory_space<vmem>>, vector<16xi32>,
      %get3A_51 = arith.constant 0 : i32
      %get3A_52 = arith.index_cast %get3A_51 : i32 to index
      %get3A_53 = arith.constant 32 : index
      %get3A_54 = tpu.vector_load %arg8[%get3A_52, %get3A_53] {strides = array<i32>} : memref<8x128xi32, #tpu.memory_space<vmem>>, vector<16xi32>,
      %gather3A_55 = tpu.vector_load_idx %arg9[%get3A_50, %get3A_54] : memref<8x128xi32, #tpu.memory_space<vmem>>[vector<16xi32>, vector<16xi32>], vector<16xi32>,
      %swap3A_56 = arith.constant 32 : index
      %swap3A_57 = tpu.vector_load %arg11[%swap3A_56] {strides = array<i32>} : memref<400xi32, #tpu.memory_space<vmem>>, vector<16xi32>,
      tpu.vector_store %arg11[%swap3A_56], %gather3A_55 {strides = array<i32>} : memref<400xi32, #tpu.memory_space<vmem>>, vector<16xi32>,
      %get3A_58 = arith.constant 0 : i32
      %get3A_59 = arith.index_cast %get3A_58 : i32 to index
      %get3A_60 = arith.constant 48 : index
      %get3A_61 = tpu.vector_load %arg7[%get3A_59, %get3A_60] {strides = array<i32>} : memref<8x128xi32, #tpu.memory_space<vmem>>, vector<16xi32>,
      %get3A_62 = arith.constant 0 : i32
      %get3A_63 = arith.index_cast %get3A_62 : i32 to index
      %get3A_64 = arith.constant 48 : index
      %get3A_65 = tpu.vector_load %arg8[%get3A_63, %get3A_64] {strides = array<i32>} : memref<8x128xi32, #tpu.memory_space<vmem>>, vector<16xi32>,
      %gather3A_66 = tpu.vector_load_idx %arg9[%get3A_61, %get3A_65] : memref<8x128xi32, #tpu.memory_space<vmem>>[vector<16xi32>, vector<16xi32>], vector<16xi32>,
      %swap3A_67 = arith.constant 48 : index
      %swap3A_68 = tpu.vector_load %arg11[%swap3A_67] {strides = array<i32>} : memref<400xi32, #tpu.memory_space<vmem>>, vector<16xi32>,
      tpu.vector_store %arg11[%swap3A_67], %gather3A_66 {strides = array<i32>} : memref<400xi32, #tpu.memory_space<vmem>>, vector<16xi32>,
      %get3A_69 = arith.constant 0 : i32
      %get3A_70 = arith.index_cast %get3A_69 : i32 to index
      %get3A_71 = arith.constant 64 : index
      %get3A_72 = tpu.vector_load %arg7[%get3A_70, %get3A_71] {strides = array<i32>} : memref<8x128xi32, #tpu.memory_space<vmem>>, vector<16xi32>,
      %get3A_73 = arith.constant 0 : i32
      %get3A_74 = arith.index_cast %get3A_73 : i32 to index
      %get3A_75 = arith.constant 64 : index
      %get3A_76 = tpu.vector_load %arg8[%get3A_74, %get3A_75] {strides = array<i32>} : memref<8x128xi32, #tpu.memory_space<vmem>>, vector<16xi32>,
      %gather3A_77 = tpu.vector_load_idx %arg9[%get3A_72, %get3A_76] : memref<8x128xi32, #tpu.memory_space<vmem>>[vector<16xi32>, vector<16xi32>], vector<16xi32>,
      %swap3A_78 = arith.constant 64 : index
      %swap3A_79 = tpu.vector_load %arg11[%swap3A_78] {strides = array<i32>} : memref<400xi32, #tpu.memory_space<vmem>>, vector<16xi32>,
      tpu.vector_store %arg11[%swap3A_78], %gather3A_77 {strides = array<i32>} : memref<400xi32, #tpu.memory_space<vmem>>, vector<16xi32>,
      %get3A_80 = arith.constant 0 : i32
      %get3A_81 = arith.index_cast %get3A_80 : i32 to index
      %get3A_82 = arith.constant 80 : index
      %get3A_83 = tpu.vector_load %arg7[%get3A_81, %get3A_82] {strides = array<i32>} : memref<8x128xi32, #tpu.memory_space<vmem>>, vector<16xi32>,
      %get3A_84 = arith.constant 0 : i32
      %get3A_85 = arith.index_cast %get3A_84 : i32 to index
      %get3A_86 = arith.constant 80 : index
      %get3A_87 = tpu.vector_load %arg8[%get3A_85, %get3A_86] {strides = array<i32>} : memref<8x128xi32, #tpu.memory_space<vmem>>, vector<16xi32>,
      %gather3A_88 = tpu.vector_load_idx %arg9[%get3A_83, %get3A_87] : memref<8x128xi32, #tpu.memory_space<vmem>>[vector<16xi32>, vector<16xi32>], vector<16xi32>,
      %swap3A_89 = arith.constant 80 : index
      %swap3A_90 = tpu.vector_load %arg11[%swap3A_89] {strides = array<i32>} : memref<400xi32, #tpu.memory_space<vmem>>, vector<16xi32>,
      tpu.vector_store %arg11[%swap3A_89], %gather3A_88 {strides = array<i32>} : memref<400xi32, #tpu.memory_space<vmem>>, vector<16xi32>,
      %get3A_91 = arith.constant 0 : i32
      %get3A_92 = arith.index_cast %get3A_91 : i32 to index
      %get3A_93 = arith.constant 96 : index
      %get3A_94 = tpu.vector_load %arg7[%get3A_92, %get3A_93] {strides = array<i32>} : memref<8x128xi32, #tpu.memory_space<vmem>>, vector<16xi32>,
      %get3A_95 = arith.constant 0 : i32
      %get3A_96 = arith.index_cast %get3A_95 : i32 to index
      %get3A_97 = arith.constant 96 : index
      %get3A_98 = tpu.vector_load %arg8[%get3A_96, %get3A_97] {strides = array<i32>} : memref<8x128xi32, #tpu.memory_space<vmem>>, vector<16xi32>,
      %gather3A_99 = tpu.vector_load_idx %arg9[%get3A_94, %get3A_98] : memref<8x128xi32, #tpu.memory_space<vmem>>[vector<16xi32>, vector<16xi32>], vector<16xi32>,
      %swap3A_100 = arith.constant 96 : index
      %swap3A_101 = tpu.vector_load %arg11[%swap3A_100] {strides = array<i32>} : memref<400xi32, #tpu.memory_space<vmem>>, vector<16xi32>,
      tpu.vector_store %arg11[%swap3A_100], %gather3A_99 {strides = array<i32>} : memref<400xi32, #tpu.memory_space<vmem>>, vector<16xi32>,
      %get3A_102 = arith.constant 0 : i32
      %get3A_103 = arith.index_cast %get3A_102 : i32 to index
      %get3A_104 = arith.constant 112 : index
      %get3A_105 = tpu.vector_load %arg7[%get3A_103, %get3A_104] {strides = array<i32>} : memref<8x128xi32, #tpu.memory_space<vmem>>, vector<16xi32>,
      %get3A_106 = arith.constant 0 : i32
      %get3A_107 = arith.index_cast %get3A_106 : i32 to index
      %get3A_108 = arith.constant 112 : index
      %get3A_109 = tpu.vector_load %arg8[%get3A_107, %get3A_108] {strides = array<i32>} : memref<8x128xi32, #tpu.memory_space<vmem>>, vector<16xi32>,
      %gather3A_110 = tpu.vector_load_idx %arg9[%get3A_105, %get3A_109] : memref<8x128xi32, #tpu.memory_space<vmem>>[vector<16xi32>, vector<16xi32>], vector<16xi32>,
      %swap3A_111 = arith.constant 112 : index
      %swap3A_112 = tpu.vector_load %arg11[%swap3A_111] {strides = array<i32>} : memref<400xi32, #tpu.memory_space<vmem>>, vector<16xi32>,
      tpu.vector_store %arg11[%swap3A_111], %gather3A_110 {strides = array<i32>} : memref<400xi32, #tpu.memory_space<vmem>>, vector<16xi32>,
      %get3A_113 = arith.constant 1 : i32
      %get3A_114 = arith.index_cast %get3A_113 : i32 to index
      %get3A_115 = arith.constant 0 : index
      %get3A_116 = tpu.vector_load %arg7[%get3A_114, %get3A_115] {strides = array<i32>} : memref<8x128xi32, #tpu.memory_space<vmem>>, vector<16xi32>,
      %get3A_117 = arith.constant 1 : i32
      %get3A_118 = arith.index_cast %get3A_117 : i32 to index
      %get3A_119 = arith.constant 0 : index
      %get3A_120 = tpu.vector_load %arg8[%get3A_118, %get3A_119] {strides = array<i32>} : memref<8x128xi32, #tpu.memory_space<vmem>>, vector<16xi32>,
      %gather3A_121 = tpu.vector_load_idx %arg9[%get3A_116, %get3A_120] : memref<8x128xi32, #tpu.memory_space<vmem>>[vector<16xi32>, vector<16xi32>], vector<16xi32>,
      %swap3A_122 = arith.constant 128 : index
      %swap3A_123 = tpu.vector_load %arg11[%swap3A_122] {strides = array<i32>} : memref<400xi32, #tpu.memory_space<vmem>>, vector<16xi32>,
      tpu.vector_store %arg11[%swap3A_122], %gather3A_121 {strides = array<i32>} : memref<400xi32, #tpu.memory_space<vmem>>, vector<16xi32>,
      %get3A_124 = arith.constant 1 : i32
      %get3A_125 = arith.index_cast %get3A_124 : i32 to index
      %get3A_126 = arith.constant 16 : index
      %get3A_127 = tpu.vector_load %arg7[%get3A_125, %get3A_126] {strides = array<i32>} : memref<8x128xi32, #tpu.memory_space<vmem>>, vector<16xi32>,
      %get3A_128 = arith.constant 1 : i32
      %get3A_129 = arith.index_cast %get3A_128 : i32 to index
      %get3A_130 = arith.constant 16 : index
      %get3A_131 = tpu.vector_load %arg8[%get3A_129, %get3A_130] {strides = array<i32>} : memref<8x128xi32, #tpu.memory_space<vmem>>, vector<16xi32>,
      %gather3A_132 = tpu.vector_load_idx %arg9[%get3A_127, %get3A_131] : memref<8x128xi32, #tpu.memory_space<vmem>>[vector<16xi32>, vector<16xi32>], vector<16xi32>,
      %swap3A_133 = arith.constant 144 : index
      %swap3A_134 = tpu.vector_load %arg11[%swap3A_133] {strides = array<i32>} : memref<400xi32, #tpu.memory_space<vmem>>, vector<16xi32>,
      tpu.vector_store %arg11[%swap3A_133], %gather3A_132 {strides = array<i32>} : memref<400xi32, #tpu.memory_space<vmem>>, vector<16xi32>,
      %get3A_135 = arith.constant 1 : i32
      %get3A_136 = arith.index_cast %get3A_135 : i32 to index
      %get3A_137 = arith.constant 32 : index
      %get3A_138 = tpu.vector_load %arg7[%get3A_136, %get3A_137] {strides = array<i32>} : memref<8x128xi32, #tpu.memory_space<vmem>>, vector<16xi32>,
      %get3A_139 = arith.constant 1 : i32
      %get3A_140 = arith.index_cast %get3A_139 : i32 to index
      %get3A_141 = arith.constant 32 : index
      %get3A_142 = tpu.vector_load %arg8[%get3A_140, %get3A_141] {strides = array<i32>} : memref<8x128xi32, #tpu.memory_space<vmem>>, vector<16xi32>,
      %gather3A_143 = tpu.vector_load_idx %arg9[%get3A_138, %get3A_142] : memref<8x128xi32, #tpu.memory_space<vmem>>[vector<16xi32>, vector<16xi32>], vector<16xi32>,
      %swap3A_144 = arith.constant 160 : index
      %swap3A_145 = tpu.vector_load %arg11[%swap3A_144] {strides = array<i32>} : memref<400xi32, #tpu.memory_space<vmem>>, vector<16xi32>,
      tpu.vector_store %arg11[%swap3A_144], %gather3A_143 {strides = array<i32>} : memref<400xi32, #tpu.memory_space<vmem>>, vector<16xi32>,
      %get3A_146 = arith.constant 1 : i32
      %get3A_147 = arith.index_cast %get3A_146 : i32 to index
      %get3A_148 = arith.constant 48 : index
      %get3A_149 = tpu.vector_load %arg7[%get3A_147, %get3A_148] {strides = array<i32>} : memref<8x128xi32, #tpu.memory_space<vmem>>, vector<16xi32>,
      %get3A_150 = arith.constant 1 : i32
      %get3A_151 = arith.index_cast %get3A_150 : i32 to index
      %get3A_152 = arith.constant 48 : index
      %get3A_153 = tpu.vector_load %arg8[%get3A_151, %get3A_152] {strides = array<i32>} : memref<8x128xi32, #tpu.memory_space<vmem>>, vector<16xi32>,
      %gather3A_154 = tpu.vector_load_idx %arg9[%get3A_149, %get3A_153] : memref<8x128xi32, #tpu.memory_space<vmem>>[vector<16xi32>, vector<16xi32>], vector<16xi32>,
      %swap3A_155 = arith.constant 176 : index
      %swap3A_156 = tpu.vector_load %arg11[%swap3A_155] {strides = array<i32>} : memref<400xi32, #tpu.memory_space<vmem>>, vector<16xi32>,
      tpu.vector_store %arg11[%swap3A_155], %gather3A_154 {strides = array<i32>} : memref<400xi32, #tpu.memory_space<vmem>>, vector<16xi32>,
      %get3A_157 = arith.constant 1 : i32
      %get3A_158 = arith.index_cast %get3A_157 : i32 to index
      %get3A_159 = arith.constant 64 : index
      %get3A_160 = tpu.vector_load %arg7[%get3A_158, %get3A_159] {strides = array<i32>} : memref<8x128xi32, #tpu.memory_space<vmem>>, vector<16xi32>,
      %get3A_161 = arith.constant 1 : i32
      %get3A_162 = arith.index_cast %get3A_161 : i32 to index
      %get3A_163 = arith.constant 64 : index
      %get3A_164 = tpu.vector_load %arg8[%get3A_162, %get3A_163] {strides = array<i32>} : memref<8x128xi32, #tpu.memory_space<vmem>>, vector<16xi32>,
      %gather3A_165 = tpu.vector_load_idx %arg9[%get3A_160, %get3A_164] : memref<8x128xi32, #tpu.memory_space<vmem>>[vector<16xi32>, vector<16xi32>], vector<16xi32>,
      %swap3A_166 = arith.constant 192 : index
      %swap3A_167 = tpu.vector_load %arg11[%swap3A_166] {strides = array<i32>} : memref<400xi32, #tpu.memory_space<vmem>>, vector<16xi32>,
      tpu.vector_store %arg11[%swap3A_166], %gather3A_165 {strides = array<i32>} : memref<400xi32, #tpu.memory_space<vmem>>, vector<16xi32>,
      %get3A_168 = arith.constant 1 : i32
      %get3A_169 = arith.index_cast %get3A_168 : i32 to index
      %get3A_170 = arith.constant 80 : index
      %get3A_171 = tpu.vector_load %arg7[%get3A_169, %get3A_170] {strides = array<i32>} : memref<8x128xi32, #tpu.memory_space<vmem>>, vector<16xi32>,
      %get3A_172 = arith.constant 1 : i32
      %get3A_173 = arith.index_cast %get3A_172 : i32 to index
      %get3A_174 = arith.constant 80 : index
      %get3A_175 = tpu.vector_load %arg8[%get3A_173, %get3A_174] {strides = array<i32>} : memref<8x128xi32, #tpu.memory_space<vmem>>, vector<16xi32>,
      %gather3A_176 = tpu.vector_load_idx %arg9[%get3A_171, %get3A_175] : memref<8x128xi32, #tpu.memory_space<vmem>>[vector<16xi32>, vector<16xi32>], vector<16xi32>,
      %swap3A_177 = arith.constant 208 : index
      %swap3A_178 = tpu.vector_load %arg11[%swap3A_177] {strides = array<i32>} : memref<400xi32, #tpu.memory_space<vmem>>, vector<16xi32>,
      tpu.vector_store %arg11[%swap3A_177], %gather3A_176 {strides = array<i32>} : memref<400xi32, #tpu.memory_space<vmem>>, vector<16xi32>,
      %get3A_179 = arith.constant 1 : i32
      %get3A_180 = arith.index_cast %get3A_179 : i32 to index
      %get3A_181 = arith.constant 96 : index
      %get3A_182 = tpu.vector_load %arg7[%get3A_180, %get3A_181] {strides = array<i32>} : memref<8x128xi32, #tpu.memory_space<vmem>>, vector<16xi32>,
      %get3A_183 = arith.constant 1 : i32
      %get3A_184 = arith.index_cast %get3A_183 : i32 to index
      %get3A_185 = arith.constant 96 : index
      %get3A_186 = tpu.vector_load %arg8[%get3A_184, %get3A_185] {strides = array<i32>} : memref<8x128xi32, #tpu.memory_space<vmem>>, vector<16xi32>,
      %gather3A_187 = tpu.vector_load_idx %arg9[%get3A_182, %get3A_186] : memref<8x128xi32, #tpu.memory_space<vmem>>[vector<16xi32>, vector<16xi32>], vector<16xi32>,
      %swap3A_188 = arith.constant 224 : index
      %swap3A_189 = tpu.vector_load %arg11[%swap3A_188] {strides = array<i32>} : memref<400xi32, #tpu.memory_space<vmem>>, vector<16xi32>,
      tpu.vector_store %arg11[%swap3A_188], %gather3A_187 {strides = array<i32>} : memref<400xi32, #tpu.memory_space<vmem>>, vector<16xi32>,
      %get3A_190 = arith.constant 1 : i32
      %get3A_191 = arith.index_cast %get3A_190 : i32 to index
      %get3A_192 = arith.constant 112 : index
      %get3A_193 = tpu.vector_load %arg7[%get3A_191, %get3A_192] {strides = array<i32>} : memref<8x128xi32, #tpu.memory_space<vmem>>, vector<16xi32>,
      %get3A_194 = arith.constant 1 : i32
      %get3A_195 = arith.index_cast %get3A_194 : i32 to index
      %get3A_196 = arith.constant 112 : index
      %get3A_197 = tpu.vector_load %arg8[%get3A_195, %get3A_196] {strides = array<i32>} : memref<8x128xi32, #tpu.memory_space<vmem>>, vector<16xi32>,
      %gather3A_198 = tpu.vector_load_idx %arg9[%get3A_193, %get3A_197] : memref<8x128xi32, #tpu.memory_space<vmem>>[vector<16xi32>, vector<16xi32>], vector<16xi32>,
      %swap3A_199 = arith.constant 240 : index
      %swap3A_200 = tpu.vector_load %arg11[%swap3A_199] {strides = array<i32>} : memref<400xi32, #tpu.memory_space<vmem>>, vector<16xi32>,
      tpu.vector_store %arg11[%swap3A_199], %gather3A_198 {strides = array<i32>} : memref<400xi32, #tpu.memory_space<vmem>>, vector<16xi32>,
      %get3A_201 = arith.constant 2 : i32
      %get3A_202 = arith.index_cast %get3A_201 : i32 to index
      %get3A_203 = arith.constant 0 : index
      %get3A_204 = tpu.vector_load %arg7[%get3A_202, %get3A_203] {strides = array<i32>} : memref<8x128xi32, #tpu.memory_space<vmem>>, vector<16xi32>,
      %get3A_205 = arith.constant 2 : i32
      %get3A_206 = arith.index_cast %get3A_205 : i32 to index
      %get3A_207 = arith.constant 0 : index
      %get3A_208 = tpu.vector_load %arg8[%get3A_206, %get3A_207] {strides = array<i32>} : memref<8x128xi32, #tpu.memory_space<vmem>>, vector<16xi32>,
      %gather3A_209 = tpu.vector_load_idx %arg9[%get3A_204, %get3A_208] : memref<8x128xi32, #tpu.memory_space<vmem>>[vector<16xi32>, vector<16xi32>], vector<16xi32>,
      %swap3A_210 = arith.constant 256 : index
      %swap3A_211 = tpu.vector_load %arg11[%swap3A_210] {strides = array<i32>} : memref<400xi32, #tpu.memory_space<vmem>>, vector<16xi32>,
      tpu.vector_store %arg11[%swap3A_210], %gather3A_209 {strides = array<i32>} : memref<400xi32, #tpu.memory_space<vmem>>, vector<16xi32>,
      %get3A_212 = arith.constant 2 : i32
      %get3A_213 = arith.index_cast %get3A_212 : i32 to index
      %get3A_214 = arith.constant 16 : index
      %get3A_215 = tpu.vector_load %arg7[%get3A_213, %get3A_214] {strides = array<i32>} : memref<8x128xi32, #tpu.memory_space<vmem>>, vector<16xi32>,
      %get3A_216 = arith.constant 2 : i32
      %get3A_217 = arith.index_cast %get3A_216 : i32 to index
      %get3A_218 = arith.constant 16 : index
      %get3A_219 = tpu.vector_load %arg8[%get3A_217, %get3A_218] {strides = array<i32>} : memref<8x128xi32, #tpu.memory_space<vmem>>, vector<16xi32>,
      %gather3A_220 = tpu.vector_load_idx %arg9[%get3A_215, %get3A_219] : memref<8x128xi32, #tpu.memory_space<vmem>>[vector<16xi32>, vector<16xi32>], vector<16xi32>,
      %swap3A_221 = arith.constant 272 : index
      %swap3A_222 = tpu.vector_load %arg11[%swap3A_221] {strides = array<i32>} : memref<400xi32, #tpu.memory_space<vmem>>, vector<16xi32>,
      tpu.vector_store %arg11[%swap3A_221], %gather3A_220 {strides = array<i32>} : memref<400xi32, #tpu.memory_space<vmem>>, vector<16xi32>,
      %get3A_223 = arith.constant 2 : i32
      %get3A_224 = arith.index_cast %get3A_223 : i32 to index
      %get3A_225 = arith.constant 32 : index
      %get3A_226 = tpu.vector_load %arg7[%get3A_224, %get3A_225] {strides = array<i32>} : memref<8x128xi32, #tpu.memory_space<vmem>>, vector<16xi32>,
      %get3A_227 = arith.constant 2 : i32
      %get3A_228 = arith.index_cast %get3A_227 : i32 to index
      %get3A_229 = arith.constant 32 : index
      %get3A_230 = tpu.vector_load %arg8[%get3A_228, %get3A_229] {strides = array<i32>} : memref<8x128xi32, #tpu.memory_space<vmem>>, vector<16xi32>,
      %gather3A_231 = tpu.vector_load_idx %arg9[%get3A_226, %get3A_230] : memref<8x128xi32, #tpu.memory_space<vmem>>[vector<16xi32>, vector<16xi32>], vector<16xi32>,
      %swap3A_232 = arith.constant 288 : index
      %swap3A_233 = tpu.vector_load %arg11[%swap3A_232] {strides = array<i32>} : memref<400xi32, #tpu.memory_space<vmem>>, vector<16xi32>,
      tpu.vector_store %arg11[%swap3A_232], %gather3A_231 {strides = array<i32>} : memref<400xi32, #tpu.memory_space<vmem>>, vector<16xi32>,
      %get3A_234 = arith.constant 2 : i32
      %get3A_235 = arith.index_cast %get3A_234 : i32 to index
      %get3A_236 = arith.constant 48 : index
      %get3A_237 = tpu.vector_load %arg7[%get3A_235, %get3A_236] {strides = array<i32>} : memref<8x128xi32, #tpu.memory_space<vmem>>, vector<16xi32>,
      %get3A_238 = arith.constant 2 : i32
      %get3A_239 = arith.index_cast %get3A_238 : i32 to index
      %get3A_240 = arith.constant 48 : index
      %get3A_241 = tpu.vector_load %arg8[%get3A_239, %get3A_240] {strides = array<i32>} : memref<8x128xi32, #tpu.memory_space<vmem>>, vector<16xi32>,
      %gather3A_242 = tpu.vector_load_idx %arg9[%get3A_237, %get3A_241] : memref<8x128xi32, #tpu.memory_space<vmem>>[vector<16xi32>, vector<16xi32>], vector<16xi32>,
      %swap3A_243 = arith.constant 304 : index
      %swap3A_244 = tpu.vector_load %arg11[%swap3A_243] {strides = array<i32>} : memref<400xi32, #tpu.memory_space<vmem>>, vector<16xi32>,
      tpu.vector_store %arg11[%swap3A_243], %gather3A_242 {strides = array<i32>} : memref<400xi32, #tpu.memory_space<vmem>>, vector<16xi32>,
      %get3A_245 = arith.constant 2 : i32
      %get3A_246 = arith.index_cast %get3A_245 : i32 to index
      %get3A_247 = arith.constant 64 : index
      %get3A_248 = tpu.vector_load %arg7[%get3A_246, %get3A_247] {strides = array<i32>} : memref<8x128xi32, #tpu.memory_space<vmem>>, vector<16xi32>,
      %get3A_249 = arith.constant 2 : i32
      %get3A_250 = arith.index_cast %get3A_249 : i32 to index
      %get3A_251 = arith.constant 64 : index
      %get3A_252 = tpu.vector_load %arg8[%get3A_250, %get3A_251] {strides = array<i32>} : memref<8x128xi32, #tpu.memory_space<vmem>>, vector<16xi32>,
      %gather3A_253 = tpu.vector_load_idx %arg9[%get3A_248, %get3A_252] : memref<8x128xi32, #tpu.memory_space<vmem>>[vector<16xi32>, vector<16xi32>], vector<16xi32>,
      %swap3A_254 = arith.constant 320 : index
      %swap3A_255 = tpu.vector_load %arg11[%swap3A_254] {strides = array<i32>} : memref<400xi32, #tpu.memory_space<vmem>>, vector<16xi32>,
      tpu.vector_store %arg11[%swap3A_254], %gather3A_253 {strides = array<i32>} : memref<400xi32, #tpu.memory_space<vmem>>, vector<16xi32>,
      %get3A_256 = arith.constant 2 : i32
      %get3A_257 = arith.index_cast %get3A_256 : i32 to index
      %get3A_258 = arith.constant 80 : index
      %get3A_259 = tpu.vector_load %arg7[%get3A_257, %get3A_258] {strides = array<i32>} : memref<8x128xi32, #tpu.memory_space<vmem>>, vector<16xi32>,
      %get3A_260 = arith.constant 2 : i32
      %get3A_261 = arith.index_cast %get3A_260 : i32 to index
      %get3A_262 = arith.constant 80 : index
      %get3A_263 = tpu.vector_load %arg8[%get3A_261, %get3A_262] {strides = array<i32>} : memref<8x128xi32, #tpu.memory_space<vmem>>, vector<16xi32>,
      %gather3A_264 = tpu.vector_load_idx %arg9[%get3A_259, %get3A_263] : memref<8x128xi32, #tpu.memory_space<vmem>>[vector<16xi32>, vector<16xi32>], vector<16xi32>,
      %swap3A_265 = arith.constant 336 : index
      %swap3A_266 = tpu.vector_load %arg11[%swap3A_265] {strides = array<i32>} : memref<400xi32, #tpu.memory_space<vmem>>, vector<16xi32>,
      tpu.vector_store %arg11[%swap3A_265], %gather3A_264 {strides = array<i32>} : memref<400xi32, #tpu.memory_space<vmem>>, vector<16xi32>,
      %get3A_267 = arith.constant 2 : i32
      %get3A_268 = arith.index_cast %get3A_267 : i32 to index
      %get3A_269 = arith.constant 96 : index
      %get3A_270 = tpu.vector_load %arg7[%get3A_268, %get3A_269] {strides = array<i32>} : memref<8x128xi32, #tpu.memory_space<vmem>>, vector<16xi32>,
      %get3A_271 = arith.constant 2 : i32
      %get3A_272 = arith.index_cast %get3A_271 : i32 to index
      %get3A_273 = arith.constant 96 : index
      %get3A_274 = tpu.vector_load %arg8[%get3A_272, %get3A_273] {strides = array<i32>} : memref<8x128xi32, #tpu.memory_space<vmem>>, vector<16xi32>,
      %gather3A_275 = tpu.vector_load_idx %arg9[%get3A_270, %get3A_274] : memref<8x128xi32, #tpu.memory_space<vmem>>[vector<16xi32>, vector<16xi32>], vector<16xi32>,
      %swap3A_276 = arith.constant 352 : index
      %swap3A_277 = tpu.vector_load %arg11[%swap3A_276] {strides = array<i32>} : memref<400xi32, #tpu.memory_space<vmem>>, vector<16xi32>,
      tpu.vector_store %arg11[%swap3A_276], %gather3A_275 {strides = array<i32>} : memref<400xi32, #tpu.memory_space<vmem>>, vector<16xi32>,
      %get3A_278 = arith.constant 2 : i32
      %get3A_279 = arith.index_cast %get3A_278 : i32 to index
      %get3A_280 = arith.constant 112 : index
      %get3A_281 = tpu.vector_load %arg7[%get3A_279, %get3A_280] {strides = array<i32>} : memref<8x128xi32, #tpu.memory_space<vmem>>, vector<16xi32>,
      %get3A_282 = arith.constant 2 : i32
      %get3A_283 = arith.index_cast %get3A_282 : i32 to index
      %get3A_284 = arith.constant 112 : index
      %get3A_285 = tpu.vector_load %arg8[%get3A_283, %get3A_284] {strides = array<i32>} : memref<8x128xi32, #tpu.memory_space<vmem>>, vector<16xi32>,
      %gather3A_286 = tpu.vector_load_idx %arg9[%get3A_281, %get3A_285] : memref<8x128xi32, #tpu.memory_space<vmem>>[vector<16xi32>, vector<16xi32>], vector<16xi32>,
      %swap3A_287 = arith.constant 368 : index
      %swap3A_288 = tpu.vector_load %arg11[%swap3A_287] {strides = array<i32>} : memref<400xi32, #tpu.memory_space<vmem>>, vector<16xi32>,
      tpu.vector_store %arg11[%swap3A_287], %gather3A_286 {strides = array<i32>} : memref<400xi32, #tpu.memory_space<vmem>>, vector<16xi32>,
      %get3A_289 = arith.constant 3 : i32
      %get3A_290 = arith.index_cast %get3A_289 : i32 to index
      %get3A_291 = arith.constant 0 : index
      %get3A_292 = tpu.vector_load %arg7[%get3A_290, %get3A_291] {strides = array<i32>} : memref<8x128xi32, #tpu.memory_space<vmem>>, vector<16xi32>,
      %get3A_293 = arith.constant 3 : i32
      %get3A_294 = arith.index_cast %get3A_293 : i32 to index
      %get3A_295 = arith.constant 0 : index
      %get3A_296 = tpu.vector_load %arg8[%get3A_294, %get3A_295] {strides = array<i32>} : memref<8x128xi32, #tpu.memory_space<vmem>>, vector<16xi32>,
      %gather3A_297 = tpu.vector_load_idx %arg9[%get3A_292, %get3A_296] : memref<8x128xi32, #tpu.memory_space<vmem>>[vector<16xi32>, vector<16xi32>], vector<16xi32>,
      %swap3A_298 = arith.constant 384 : index
      %swap3A_299 = tpu.vector_load %arg11[%swap3A_298] {strides = array<i32>} : memref<400xi32, #tpu.memory_space<vmem>>, vector<16xi32>,
      tpu.vector_store %arg11[%swap3A_298], %gather3A_297 {strides = array<i32>} : memref<400xi32, #tpu.memory_space<vmem>>, vector<16xi32>,
      %dma_start3A_300 = arith.constant 0 : i32
      %dma_start3A_301 = arith.constant 0 : i32
      %dma_start3A_302 = tpu.memref_slice %arg2[%dma_start3A_300, %dma_start3A_301] : memref<1000000x128xf32, #tpu.memory_space<hbm>> -> memref<1000000x128xf32, #tpu.memory_space<hbm>>
      tpu.enqueue_indirect_dma source(%dma_start3A_302 : memref<1000000x128xf32, #tpu.memory_space<hbm>>) target(%arg13 : memref<400x128xf32, #tpu.memory_space<vmem>>) offsets(%arg11 : memref<400xi32, #tpu.memory_space<vmem>>) semaphore(%arg17 : memref<!tpu.dma_semaphore, #tpu.memory_space<semaphore_mem>>)
      %dma_wait3A_303 = arith.constant 0 : i32
      %dma_wait3A_304 = arith.constant 0 : i32
      %dma_wait3A_305 = tpu.memref_slice %arg2[%dma_wait3A_303, %dma_wait3A_304] : memref<1000000x128xf32, #tpu.memory_space<hbm>> -> memref<1000000x128xf32, #tpu.memory_space<hbm>>
      tpu.wait_indirect_dma semaphore(%arg17 : memref<!tpu.dma_semaphore, #tpu.memory_space<semaphore_mem>>) src(%dma_wait3A_305 : memref<1000000x128xf32, #tpu.memory_space<hbm>>) dst(%arg13 : memref<400x128xf32, #tpu.memory_space<vmem>>)
      %add3A_306 = arith.constant 1 : i32
      %add3A_307 = arith.addi %scan3A_19, %add3A_306 : i32
      %lt3A = arith.constant 32 : i32
      %lt3A_308 = arith.cmpi slt, %add3A_307, %lt3A : i32
      %convert_element_type3A = arith.extui %lt3A_308 : i1 to i32
      %cond3A = arith.constant 0 : i32
      %cond3A_309 = arith.cmpi ne, %convert_element_type3A, %cond3A : i32
      scf.if %cond3A_309 {
        %add3A_1219 = arith.constant 2 : i32
        %add3A_1220 = arith.addi %mul3A_21, %add3A_1219 : i32
        %mul3A_1221 = arith.constant 8 : i32
        %mul3A_1222 = arith.muli %add3A_1220, %mul3A_1221 : i32
        %add3A_1223 = arith.addi %mul3A_2, %mul3A_1222 : i32
        %dma_start3A_1224 = arith.constant 0 : i32
        %dma_start3A_1225 = tpu.memref_slice %arg3[%add3A_1223, %dma_start3A_1224] : memref<16384x128xi32, #tpu.memory_space<hbm>> -> memref<8x128xi32, #tpu.memory_space<hbm>>
        %dma_start3A_1226 = arith.constant 0 : i32
        %dma_start3A_1227 = tpu.memref_slice %arg3[%add3A_1223, %dma_start3A_1226] : memref<16384x128xi32, #tpu.memory_space<hbm>> -> memref<8x128xi32, #tpu.memory_space<hbm>>
        tpu.enqueue_dma source(%dma_start3A_1227 : memref<8x128xi32, #tpu.memory_space<hbm>>) target(%arg9 : memref<8x128xi32, #tpu.memory_space<vmem>>) target_semaphore(%arg15 : memref<!tpu.dma_semaphore, #tpu.memory_space<semaphore_mem>>)
      } else {
      }
      %mul3A_310 = arith.constant 8 : i32
      %mul3A_311 = arith.muli %mul3A_21, %mul3A_310 : i32
      %add3A_312 = arith.addi %mul3A_2, %mul3A_311 : i32
      %add3A_313 = arith.constant 0 : i32
      %add3A_314 = arith.addi %add3A_312, %add3A_313 : i32
      %dma_start3A_315 = arith.constant 0 : i32
      %dma_start3A_316 = arith.constant 0 : i32
      %dma_start3A_317 = tpu.memref_slice %arg13[%dma_start3A_315, %dma_start3A_316] : memref<400x128xf32, #tpu.memory_space<vmem>> -> memref<50x32xf32, #tpu.memory_space<vmem>>
      %dma_start3A_318 = arith.constant 0 : i32
      %dma_start3A_319 = arith.constant 0 : i32
      %dma_start3A_320 = tpu.memref_slice %arg6[%add3A_314, %dma_start3A_318, %dma_start3A_319] : memref<16384x50x32xf32, #tpu.memory_space<hbm>> -> memref<1x50x32xf32, #tpu.memory_space<hbm>>
      %dma_start3A_321 = tpu.memref_squeeze %dma_start3A_320 : memref<1x50x32xf32, #tpu.memory_space<hbm>> -> memref<50x32xf32, #tpu.memory_space<hbm>>
      %dma_start3A_322 = arith.constant 0 : i32
      %dma_start3A_323 = arith.constant 0 : i32
      %dma_start3A_324 = tpu.memref_slice %arg6[%add3A_314, %dma_start3A_322, %dma_start3A_323] : memref<16384x50x32xf32, #tpu.memory_space<hbm>> -> memref<1x50x32xf32, #tpu.memory_space<hbm>>
      %dma_start3A_325 = tpu.memref_squeeze %dma_start3A_324 : memref<1x50x32xf32, #tpu.memory_space<hbm>> -> memref<50x32xf32, #tpu.memory_space<hbm>>
      %dma_start3A_326 = arith.constant 0 : i32
      %dma_start3A_327 = arith.constant 0 : i32
      %dma_start3A_328 = tpu.memref_slice %arg13[%dma_start3A_326, %dma_start3A_327] : memref<400x128xf32, #tpu.memory_space<vmem>> -> memref<50x32xf32, #tpu.memory_space<vmem>>
      tpu.enqueue_dma source(%dma_start3A_328 : memref<50x32xf32, #tpu.memory_space<vmem>>) target(%dma_start3A_325 : memref<50x32xf32, #tpu.memory_space<hbm>>) target_semaphore(%arg19 : memref<!tpu.dma_semaphore, #tpu.memory_space<semaphore_mem>>)
      %mul3A_329 = arith.constant 8 : i32
      %mul3A_330 = arith.muli %mul3A_21, %mul3A_329 : i32
      %add3A_331 = arith.addi %mul3A_2, %mul3A_330 : i32
      %add3A_332 = arith.constant 1 : i32
      %add3A_333 = arith.addi %add3A_331, %add3A_332 : i32
      %dma_start3A_334 = arith.constant 50 : i32
      %dma_start3A_335 = arith.constant 0 : i32
      %dma_start3A_336 = tpu.memref_slice %arg13[%dma_start3A_334, %dma_start3A_335] : memref<400x128xf32, #tpu.memory_space<vmem>> -> memref<50x32xf32, #tpu.memory_space<vmem>>
      %dma_start3A_337 = arith.constant 0 : i32
      %dma_start3A_338 = arith.constant 0 : i32
      %dma_start3A_339 = tpu.memref_slice %arg6[%add3A_333, %dma_start3A_337, %dma_start3A_338] : memref<16384x50x32xf32, #tpu.memory_space<hbm>> -> memref<1x50x32xf32, #tpu.memory_space<hbm>>
      %dma_start3A_340 = tpu.memref_squeeze %dma_start3A_339 : memref<1x50x32xf32, #tpu.memory_space<hbm>> -> memref<50x32xf32, #tpu.memory_space<hbm>>
      %dma_start3A_341 = arith.constant 0 : i32
      %dma_start3A_342 = arith.constant 0 : i32
      %dma_start3A_343 = tpu.memref_slice %arg6[%add3A_333, %dma_start3A_341, %dma_start3A_342] : memref<16384x50x32xf32, #tpu.memory_space<hbm>> -> memref<1x50x32xf32, #tpu.memory_space<hbm>>
      %dma_start3A_344 = tpu.memref_squeeze %dma_start3A_343 : memref<1x50x32xf32, #tpu.memory_space<hbm>> -> memref<50x32xf32, #tpu.memory_space<hbm>>
      %dma_start3A_345 = arith.constant 50 : i32
      %dma_start3A_346 = arith.constant 0 : i32
      %dma_start3A_347 = tpu.memref_slice %arg13[%dma_start3A_345, %dma_start3A_346] : memref<400x128xf32, #tpu.memory_space<vmem>> -> memref<50x32xf32, #tpu.memory_space<vmem>>
      tpu.enqueue_dma source(%dma_start3A_347 : memref<50x32xf32, #tpu.memory_space<vmem>>) target(%dma_start3A_344 : memref<50x32xf32, #tpu.memory_space<hbm>>) target_semaphore(%arg19 : memref<!tpu.dma_semaphore, #tpu.memory_space<semaphore_mem>>)
      %mul3A_348 = arith.constant 8 : i32
      %mul3A_349 = arith.muli %mul3A_21, %mul3A_348 : i32
      %add3A_350 = arith.addi %mul3A_2, %mul3A_349 : i32
      %add3A_351 = arith.constant 2 : i32
      %add3A_352 = arith.addi %add3A_350, %add3A_351 : i32
      %dma_start3A_353 = arith.constant 100 : i32
      %dma_start3A_354 = arith.constant 0 : i32
      %dma_start3A_355 = tpu.memref_slice %arg13[%dma_start3A_353, %dma_start3A_354] : memref<400x128xf32, #tpu.memory_space<vmem>> -> memref<50x32xf32, #tpu.memory_space<vmem>>
      %dma_start3A_356 = arith.constant 0 : i32
      %dma_start3A_357 = arith.constant 0 : i32
      %dma_start3A_358 = tpu.memref_slice %arg6[%add3A_352, %dma_start3A_356, %dma_start3A_357] : memref<16384x50x32xf32, #tpu.memory_space<hbm>> -> memref<1x50x32xf32, #tpu.memory_space<hbm>>
      %dma_start3A_359 = tpu.memref_squeeze %dma_start3A_358 : memref<1x50x32xf32, #tpu.memory_space<hbm>> -> memref<50x32xf32, #tpu.memory_space<hbm>>
      %dma_start3A_360 = arith.constant 0 : i32
      %dma_start3A_361 = arith.constant 0 : i32
      %dma_start3A_362 = tpu.memref_slice %arg6[%add3A_352, %dma_start3A_360, %dma_start3A_361] : memref<16384x50x32xf32, #tpu.memory_space<hbm>> -> memref<1x50x32xf32, #tpu.memory_space<hbm>>
      %dma_start3A_363 = tpu.memref_squeeze %dma_start3A_362 : memref<1x50x32xf32, #tpu.memory_space<hbm>> -> memref<50x32xf32, #tpu.memory_space<hbm>>
      %dma_start3A_364 = arith.constant 100 : i32
      %dma_start3A_365 = arith.constant 0 : i32
      %dma_start3A_366 = tpu.memref_slice %arg13[%dma_start3A_364, %dma_start3A_365] : memref<400x128xf32, #tpu.memory_space<vmem>> -> memref<50x32xf32, #tpu.memory_space<vmem>>
      tpu.enqueue_dma source(%dma_start3A_366 : memref<50x32xf32, #tpu.memory_space<vmem>>) target(%dma_start3A_363 : memref<50x32xf32, #tpu.memory_space<hbm>>) target_semaphore(%arg19 : memref<!tpu.dma_semaphore, #tpu.memory_space<semaphore_mem>>)
      %mul3A_367 = arith.constant 8 : i32
      %mul3A_368 = arith.muli %mul3A_21, %mul3A_367 : i32
      %add3A_369 = arith.addi %mul3A_2, %mul3A_368 : i32
      %add3A_370 = arith.constant 3 : i32
      %add3A_371 = arith.addi %add3A_369, %add3A_370 : i32
      %dma_start3A_372 = arith.constant 150 : i32
      %dma_start3A_373 = arith.constant 0 : i32
      %dma_start3A_374 = tpu.memref_slice %arg13[%dma_start3A_372, %dma_start3A_373] : memref<400x128xf32, #tpu.memory_space<vmem>> -> memref<50x32xf32, #tpu.memory_space<vmem>>
      %dma_start3A_375 = arith.constant 0 : i32
      %dma_start3A_376 = arith.constant 0 : i32
      %dma_start3A_377 = tpu.memref_slice %arg6[%add3A_371, %dma_start3A_375, %dma_start3A_376] : memref<16384x50x32xf32, #tpu.memory_space<hbm>> -> memref<1x50x32xf32, #tpu.memory_space<hbm>>
      %dma_start3A_378 = tpu.memref_squeeze %dma_start3A_377 : memref<1x50x32xf32, #tpu.memory_space<hbm>> -> memref<50x32xf32, #tpu.memory_space<hbm>>
      %dma_start3A_379 = arith.constant 0 : i32
      %dma_start3A_380 = arith.constant 0 : i32
      %dma_start3A_381 = tpu.memref_slice %arg6[%add3A_371, %dma_start3A_379, %dma_start3A_380] : memref<16384x50x32xf32, #tpu.memory_space<hbm>> -> memref<1x50x32xf32, #tpu.memory_space<hbm>>
      %dma_start3A_382 = tpu.memref_squeeze %dma_start3A_381 : memref<1x50x32xf32, #tpu.memory_space<hbm>> -> memref<50x32xf32, #tpu.memory_space<hbm>>
      %dma_start3A_383 = arith.constant 150 : i32
      %dma_start3A_384 = arith.constant 0 : i32
      %dma_start3A_385 = tpu.memref_slice %arg13[%dma_start3A_383, %dma_start3A_384] : memref<400x128xf32, #tpu.memory_space<vmem>> -> memref<50x32xf32, #tpu.memory_space<vmem>>
      tpu.enqueue_dma source(%dma_start3A_385 : memref<50x32xf32, #tpu.memory_space<vmem>>) target(%dma_start3A_382 : memref<50x32xf32, #tpu.memory_space<hbm>>) target_semaphore(%arg19 : memref<!tpu.dma_semaphore, #tpu.memory_space<semaphore_mem>>)
      %mul3A_386 = arith.constant 8 : i32
      %mul3A_387 = arith.muli %mul3A_21, %mul3A_386 : i32
      %add3A_388 = arith.addi %mul3A_2, %mul3A_387 : i32
      %add3A_389 = arith.constant 4 : i32
      %add3A_390 = arith.addi %add3A_388, %add3A_389 : i32
      %dma_start3A_391 = arith.constant 200 : i32
      %dma_start3A_392 = arith.constant 0 : i32
      %dma_start3A_393 = tpu.memref_slice %arg13[%dma_start3A_391, %dma_start3A_392] : memref<400x128xf32, #tpu.memory_space<vmem>> -> memref<50x32xf32, #tpu.memory_space<vmem>>
      %dma_start3A_394 = arith.constant 0 : i32
      %dma_start3A_395 = arith.constant 0 : i32
      %dma_start3A_396 = tpu.memref_slice %arg6[%add3A_390, %dma_start3A_394, %dma_start3A_395] : memref<16384x50x32xf32, #tpu.memory_space<hbm>> -> memref<1x50x32xf32, #tpu.memory_space<hbm>>
      %dma_start3A_397 = tpu.memref_squeeze %dma_start3A_396 : memref<1x50x32xf32, #tpu.memory_space<hbm>> -> memref<50x32xf32, #tpu.memory_space<hbm>>
      %dma_start3A_398 = arith.constant 0 : i32
      %dma_start3A_399 = arith.constant 0 : i32
      %dma_start3A_400 = tpu.memref_slice %arg6[%add3A_390, %dma_start3A_398, %dma_start3A_399] : memref<16384x50x32xf32, #tpu.memory_space<hbm>> -> memref<1x50x32xf32, #tpu.memory_space<hbm>>
      %dma_start3A_401 = tpu.memref_squeeze %dma_start3A_400 : memref<1x50x32xf32, #tpu.memory_space<hbm>> -> memref<50x32xf32, #tpu.memory_space<hbm>>
      %dma_start3A_402 = arith.constant 200 : i32
      %dma_start3A_403 = arith.constant 0 : i32
      %dma_start3A_404 = tpu.memref_slice %arg13[%dma_start3A_402, %dma_start3A_403] : memref<400x128xf32, #tpu.memory_space<vmem>> -> memref<50x32xf32, #tpu.memory_space<vmem>>
      tpu.enqueue_dma source(%dma_start3A_404 : memref<50x32xf32, #tpu.memory_space<vmem>>) target(%dma_start3A_401 : memref<50x32xf32, #tpu.memory_space<hbm>>) target_semaphore(%arg19 : memref<!tpu.dma_semaphore, #tpu.memory_space<semaphore_mem>>)
      %mul3A_405 = arith.constant 8 : i32
      %mul3A_406 = arith.muli %mul3A_21, %mul3A_405 : i32
      %add3A_407 = arith.addi %mul3A_2, %mul3A_406 : i32
      %add3A_408 = arith.constant 5 : i32
      %add3A_409 = arith.addi %add3A_407, %add3A_408 : i32
      %dma_start3A_410 = arith.constant 250 : i32
      %dma_start3A_411 = arith.constant 0 : i32
      %dma_start3A_412 = tpu.memref_slice %arg13[%dma_start3A_410, %dma_start3A_411] : memref<400x128xf32, #tpu.memory_space<vmem>> -> memref<50x32xf32, #tpu.memory_space<vmem>>
      %dma_start3A_413 = arith.constant 0 : i32
      %dma_start3A_414 = arith.constant 0 : i32
      %dma_start3A_415 = tpu.memref_slice %arg6[%add3A_409, %dma_start3A_413, %dma_start3A_414] : memref<16384x50x32xf32, #tpu.memory_space<hbm>> -> memref<1x50x32xf32, #tpu.memory_space<hbm>>
      %dma_start3A_416 = tpu.memref_squeeze %dma_start3A_415 : memref<1x50x32xf32, #tpu.memory_space<hbm>> -> memref<50x32xf32, #tpu.memory_space<hbm>>
      %dma_start3A_417 = arith.constant 0 : i32
      %dma_start3A_418 = arith.constant 0 : i32
      %dma_start3A_419 = tpu.memref_slice %arg6[%add3A_409, %dma_start3A_417, %dma_start3A_418] : memref<16384x50x32xf32, #tpu.memory_space<hbm>> -> memref<1x50x32xf32, #tpu.memory_space<hbm>>
      %dma_start3A_420 = tpu.memref_squeeze %dma_start3A_419 : memref<1x50x32xf32, #tpu.memory_space<hbm>> -> memref<50x32xf32, #tpu.memory_space<hbm>>
      %dma_start3A_421 = arith.constant 250 : i32
      %dma_start3A_422 = arith.constant 0 : i32
      %dma_start3A_423 = tpu.memref_slice %arg13[%dma_start3A_421, %dma_start3A_422] : memref<400x128xf32, #tpu.memory_space<vmem>> -> memref<50x32xf32, #tpu.memory_space<vmem>>
      tpu.enqueue_dma source(%dma_start3A_423 : memref<50x32xf32, #tpu.memory_space<vmem>>) target(%dma_start3A_420 : memref<50x32xf32, #tpu.memory_space<hbm>>) target_semaphore(%arg19 : memref<!tpu.dma_semaphore, #tpu.memory_space<semaphore_mem>>)
      %mul3A_424 = arith.constant 8 : i32
      %mul3A_425 = arith.muli %mul3A_21, %mul3A_424 : i32
      %add3A_426 = arith.addi %mul3A_2, %mul3A_425 : i32
      %add3A_427 = arith.constant 6 : i32
      %add3A_428 = arith.addi %add3A_426, %add3A_427 : i32
      %dma_start3A_429 = arith.constant 300 : i32
      %dma_start3A_430 = arith.constant 0 : i32
      %dma_start3A_431 = tpu.memref_slice %arg13[%dma_start3A_429, %dma_start3A_430] : memref<400x128xf32, #tpu.memory_space<vmem>> -> memref<50x32xf32, #tpu.memory_space<vmem>>
      %dma_start3A_432 = arith.constant 0 : i32
      %dma_start3A_433 = arith.constant 0 : i32
      %dma_start3A_434 = tpu.memref_slice %arg6[%add3A_428, %dma_start3A_432, %dma_start3A_433] : memref<16384x50x32xf32, #tpu.memory_space<hbm>> -> memref<1x50x32xf32, #tpu.memory_space<hbm>>
      %dma_start3A_435 = tpu.memref_squeeze %dma_start3A_434 : memref<1x50x32xf32, #tpu.memory_space<hbm>> -> memref<50x32xf32, #tpu.memory_space<hbm>>
      %dma_start3A_436 = arith.constant 0 : i32
      %dma_start3A_437 = arith.constant 0 : i32
      %dma_start3A_438 = tpu.memref_slice %arg6[%add3A_428, %dma_start3A_436, %dma_start3A_437] : memref<16384x50x32xf32, #tpu.memory_space<hbm>> -> memref<1x50x32xf32, #tpu.memory_space<hbm>>
      %dma_start3A_439 = tpu.memref_squeeze %dma_start3A_438 : memref<1x50x32xf32, #tpu.memory_space<hbm>> -> memref<50x32xf32, #tpu.memory_space<hbm>>
      %dma_start3A_440 = arith.constant 300 : i32
      %dma_start3A_441 = arith.constant 0 : i32
      %dma_start3A_442 = tpu.memref_slice %arg13[%dma_start3A_440, %dma_start3A_441] : memref<400x128xf32, #tpu.memory_space<vmem>> -> memref<50x32xf32, #tpu.memory_space<vmem>>
      tpu.enqueue_dma source(%dma_start3A_442 : memref<50x32xf32, #tpu.memory_space<vmem>>) target(%dma_start3A_439 : memref<50x32xf32, #tpu.memory_space<hbm>>) target_semaphore(%arg19 : memref<!tpu.dma_semaphore, #tpu.memory_space<semaphore_mem>>)
      %mul3A_443 = arith.constant 8 : i32
      %mul3A_444 = arith.muli %mul3A_21, %mul3A_443 : i32
      %add3A_445 = arith.addi %mul3A_2, %mul3A_444 : i32
      %add3A_446 = arith.constant 7 : i32
      %add3A_447 = arith.addi %add3A_445, %add3A_446 : i32
      %dma_start3A_448 = arith.constant 350 : i32
      %dma_start3A_449 = arith.constant 0 : i32
      %dma_start3A_450 = tpu.memref_slice %arg13[%dma_start3A_448, %dma_start3A_449] : memref<400x128xf32, #tpu.memory_space<vmem>> -> memref<50x32xf32, #tpu.memory_space<vmem>>
      %dma_start3A_451 = arith.constant 0 : i32
      %dma_start3A_452 = arith.constant 0 : i32
      %dma_start3A_453 = tpu.memref_slice %arg6[%add3A_447, %dma_start3A_451, %dma_start3A_452] : memref<16384x50x32xf32, #tpu.memory_space<hbm>> -> memref<1x50x32xf32, #tpu.memory_space<hbm>>
      %dma_start3A_454 = tpu.memref_squeeze %dma_start3A_453 : memref<1x50x32xf32, #tpu.memory_space<hbm>> -> memref<50x32xf32, #tpu.memory_space<hbm>>
      %dma_start3A_455 = arith.constant 0 : i32
      %dma_start3A_456 = arith.constant 0 : i32
      %dma_start3A_457 = tpu.memref_slice %arg6[%add3A_447, %dma_start3A_455, %dma_start3A_456] : memref<16384x50x32xf32, #tpu.memory_space<hbm>> -> memref<1x50x32xf32, #tpu.memory_space<hbm>>
      %dma_start3A_458 = tpu.memref_squeeze %dma_start3A_457 : memref<1x50x32xf32, #tpu.memory_space<hbm>> -> memref<50x32xf32, #tpu.memory_space<hbm>>
      %dma_start3A_459 = arith.constant 350 : i32
      %dma_start3A_460 = arith.constant 0 : i32
      %dma_start3A_461 = tpu.memref_slice %arg13[%dma_start3A_459, %dma_start3A_460] : memref<400x128xf32, #tpu.memory_space<vmem>> -> memref<50x32xf32, #tpu.memory_space<vmem>>
      tpu.enqueue_dma source(%dma_start3A_461 : memref<50x32xf32, #tpu.memory_space<vmem>>) target(%dma_start3A_458 : memref<50x32xf32, #tpu.memory_space<hbm>>) target_semaphore(%arg19 : memref<!tpu.dma_semaphore, #tpu.memory_space<semaphore_mem>>)
      %add3A_462 = arith.constant 1 : i32
      %add3A_463 = arith.addi %mul3A_21, %add3A_462 : i32
      %mul3A_464 = arith.constant 8 : i32
      %mul3A_465 = arith.muli %add3A_463, %mul3A_464 : i32
      %add3A_466 = arith.addi %mul3A_2, %mul3A_465 : i32
      %dma_wait3A_467 = arith.constant 0 : i32
      %dma_wait3A_468 = tpu.memref_slice %arg3[%add3A_466, %dma_wait3A_467] : memref<16384x128xi32, #tpu.memory_space<hbm>> -> memref<8x128xi32, #tpu.memory_space<hbm>>
      %dma_wait3A_469 = arith.constant 0 : i32
      %dma_wait3A_470 = tpu.memref_slice %arg3[%add3A_466, %dma_wait3A_469] : memref<16384x128xi32, #tpu.memory_space<hbm>> -> memref<8x128xi32, #tpu.memory_space<hbm>>
      tpu.wait_dma2 semaphore(%arg16 : memref<!tpu.dma_semaphore, #tpu.memory_space<semaphore_mem>>) src(%dma_wait3A_470 : memref<8x128xi32, #tpu.memory_space<hbm>>) dst(%arg10 : memref<8x128xi32, #tpu.memory_space<vmem>>)
      %get3A_471 = arith.constant 0 : i32
      %get3A_472 = arith.index_cast %get3A_471 : i32 to index
      %get3A_473 = arith.constant 0 : index
      %get3A_474 = tpu.vector_load %arg7[%get3A_472, %get3A_473] {strides = array<i32>} : memref<8x128xi32, #tpu.memory_space<vmem>>, vector<16xi32>,
      %get3A_475 = arith.constant 0 : i32
      %get3A_476 = arith.index_cast %get3A_475 : i32 to index
      %get3A_477 = arith.constant 0 : index
      %get3A_478 = tpu.vector_load %arg8[%get3A_476, %get3A_477] {strides = array<i32>} : memref<8x128xi32, #tpu.memory_space<vmem>>, vector<16xi32>,
      %gather3A_479 = tpu.vector_load_idx %arg10[%get3A_474, %get3A_478] : memref<8x128xi32, #tpu.memory_space<vmem>>[vector<16xi32>, vector<16xi32>], vector<16xi32>,
      %swap3A_480 = arith.constant 0 : index
      %swap3A_481 = tpu.vector_load %arg12[%swap3A_480] {strides = array<i32>} : memref<400xi32, #tpu.memory_space<vmem>>, vector<16xi32>,
      tpu.vector_store %arg12[%swap3A_480], %gather3A_479 {strides = array<i32>} : memref<400xi32, #tpu.memory_space<vmem>>, vector<16xi32>,
      %get3A_482 = arith.constant 0 : i32
      %get3A_483 = arith.index_cast %get3A_482 : i32 to index
      %get3A_484 = arith.constant 16 : index
      %get3A_485 = tpu.vector_load %arg7[%get3A_483, %get3A_484] {strides = array<i32>} : memref<8x128xi32, #tpu.memory_space<vmem>>, vector<16xi32>,
      %get3A_486 = arith.constant 0 : i32
      %get3A_487 = arith.index_cast %get3A_486 : i32 to index
      %get3A_488 = arith.constant 16 : index
      %get3A_489 = tpu.vector_load %arg8[%get3A_487, %get3A_488] {strides = array<i32>} : memref<8x128xi32, #tpu.memory_space<vmem>>, vector<16xi32>,
      %gather3A_490 = tpu.vector_load_idx %arg10[%get3A_485, %get3A_489] : memref<8x128xi32, #tpu.memory_space<vmem>>[vector<16xi32>, vector<16xi32>], vector<16xi32>,
      %swap3A_491 = arith.constant 16 : index
      %swap3A_492 = tpu.vector_load %arg12[%swap3A_491] {strides = array<i32>} : memref<400xi32, #tpu.memory_space<vmem>>, vector<16xi32>,
      tpu.vector_store %arg12[%swap3A_491], %gather3A_490 {strides = array<i32>} : memref<400xi32, #tpu.memory_space<vmem>>, vector<16xi32>,
      %get3A_493 = arith.constant 0 : i32
      %get3A_494 = arith.index_cast %get3A_493 : i32 to index
      %get3A_495 = arith.constant 32 : index
      %get3A_496 = tpu.vector_load %arg7[%get3A_494, %get3A_495] {strides = array<i32>} : memref<8x128xi32, #tpu.memory_space<vmem>>, vector<16xi32>,
      %get3A_497 = arith.constant 0 : i32
      %get3A_498 = arith.index_cast %get3A_497 : i32 to index
      %get3A_499 = arith.constant 32 : index
      %get3A_500 = tpu.vector_load %arg8[%get3A_498, %get3A_499] {strides = array<i32>} : memref<8x128xi32, #tpu.memory_space<vmem>>, vector<16xi32>,
      %gather3A_501 = tpu.vector_load_idx %arg10[%get3A_496, %get3A_500] : memref<8x128xi32, #tpu.memory_space<vmem>>[vector<16xi32>, vector<16xi32>], vector<16xi32>,
      %swap3A_502 = arith.constant 32 : index
      %swap3A_503 = tpu.vector_load %arg12[%swap3A_502] {strides = array<i32>} : memref<400xi32, #tpu.memory_space<vmem>>, vector<16xi32>,
      tpu.vector_store %arg12[%swap3A_502], %gather3A_501 {strides = array<i32>} : memref<400xi32, #tpu.memory_space<vmem>>, vector<16xi32>,
      %get3A_504 = arith.constant 0 : i32
      %get3A_505 = arith.index_cast %get3A_504 : i32 to index
      %get3A_506 = arith.constant 48 : index
      %get3A_507 = tpu.vector_load %arg7[%get3A_505, %get3A_506] {strides = array<i32>} : memref<8x128xi32, #tpu.memory_space<vmem>>, vector<16xi32>,
      %get3A_508 = arith.constant 0 : i32
      %get3A_509 = arith.index_cast %get3A_508 : i32 to index
      %get3A_510 = arith.constant 48 : index
      %get3A_511 = tpu.vector_load %arg8[%get3A_509, %get3A_510] {strides = array<i32>} : memref<8x128xi32, #tpu.memory_space<vmem>>, vector<16xi32>,
      %gather3A_512 = tpu.vector_load_idx %arg10[%get3A_507, %get3A_511] : memref<8x128xi32, #tpu.memory_space<vmem>>[vector<16xi32>, vector<16xi32>], vector<16xi32>,
      %swap3A_513 = arith.constant 48 : index
      %swap3A_514 = tpu.vector_load %arg12[%swap3A_513] {strides = array<i32>} : memref<400xi32, #tpu.memory_space<vmem>>, vector<16xi32>,
      tpu.vector_store %arg12[%swap3A_513], %gather3A_512 {strides = array<i32>} : memref<400xi32, #tpu.memory_space<vmem>>, vector<16xi32>,
      %get3A_515 = arith.constant 0 : i32
      %get3A_516 = arith.index_cast %get3A_515 : i32 to index
      %get3A_517 = arith.constant 64 : index
      %get3A_518 = tpu.vector_load %arg7[%get3A_516, %get3A_517] {strides = array<i32>} : memref<8x128xi32, #tpu.memory_space<vmem>>, vector<16xi32>,
      %get3A_519 = arith.constant 0 : i32
      %get3A_520 = arith.index_cast %get3A_519 : i32 to index
      %get3A_521 = arith.constant 64 : index
      %get3A_522 = tpu.vector_load %arg8[%get3A_520, %get3A_521] {strides = array<i32>} : memref<8x128xi32, #tpu.memory_space<vmem>>, vector<16xi32>,
      %gather3A_523 = tpu.vector_load_idx %arg10[%get3A_518, %get3A_522] : memref<8x128xi32, #tpu.memory_space<vmem>>[vector<16xi32>, vector<16xi32>], vector<16xi32>,
      %swap3A_524 = arith.constant 64 : index
      %swap3A_525 = tpu.vector_load %arg12[%swap3A_524] {strides = array<i32>} : memref<400xi32, #tpu.memory_space<vmem>>, vector<16xi32>,
      tpu.vector_store %arg12[%swap3A_524], %gather3A_523 {strides = array<i32>} : memref<400xi32, #tpu.memory_space<vmem>>, vector<16xi32>,
      %get3A_526 = arith.constant 0 : i32
      %get3A_527 = arith.index_cast %get3A_526 : i32 to index
      %get3A_528 = arith.constant 80 : index
      %get3A_529 = tpu.vector_load %arg7[%get3A_527, %get3A_528] {strides = array<i32>} : memref<8x128xi32, #tpu.memory_space<vmem>>, vector<16xi32>,
      %get3A_530 = arith.constant 0 : i32
      %get3A_531 = arith.index_cast %get3A_530 : i32 to index
      %get3A_532 = arith.constant 80 : index
      %get3A_533 = tpu.vector_load %arg8[%get3A_531, %get3A_532] {strides = array<i32>} : memref<8x128xi32, #tpu.memory_space<vmem>>, vector<16xi32>,
      %gather3A_534 = tpu.vector_load_idx %arg10[%get3A_529, %get3A_533] : memref<8x128xi32, #tpu.memory_space<vmem>>[vector<16xi32>, vector<16xi32>], vector<16xi32>,
      %swap3A_535 = arith.constant 80 : index
      %swap3A_536 = tpu.vector_load %arg12[%swap3A_535] {strides = array<i32>} : memref<400xi32, #tpu.memory_space<vmem>>, vector<16xi32>,
      tpu.vector_store %arg12[%swap3A_535], %gather3A_534 {strides = array<i32>} : memref<400xi32, #tpu.memory_space<vmem>>, vector<16xi32>,
      %get3A_537 = arith.constant 0 : i32
      %get3A_538 = arith.index_cast %get3A_537 : i32 to index
      %get3A_539 = arith.constant 96 : index
      %get3A_540 = tpu.vector_load %arg7[%get3A_538, %get3A_539] {strides = array<i32>} : memref<8x128xi32, #tpu.memory_space<vmem>>, vector<16xi32>,
      %get3A_541 = arith.constant 0 : i32
      %get3A_542 = arith.index_cast %get3A_541 : i32 to index
      %get3A_543 = arith.constant 96 : index
      %get3A_544 = tpu.vector_load %arg8[%get3A_542, %get3A_543] {strides = array<i32>} : memref<8x128xi32, #tpu.memory_space<vmem>>, vector<16xi32>,
      %gather3A_545 = tpu.vector_load_idx %arg10[%get3A_540, %get3A_544] : memref<8x128xi32, #tpu.memory_space<vmem>>[vector<16xi32>, vector<16xi32>], vector<16xi32>,
      %swap3A_546 = arith.constant 96 : index
      %swap3A_547 = tpu.vector_load %arg12[%swap3A_546] {strides = array<i32>} : memref<400xi32, #tpu.memory_space<vmem>>, vector<16xi32>,
      tpu.vector_store %arg12[%swap3A_546], %gather3A_545 {strides = array<i32>} : memref<400xi32, #tpu.memory_space<vmem>>, vector<16xi32>,
      %get3A_548 = arith.constant 0 : i32
      %get3A_549 = arith.index_cast %get3A_548 : i32 to index
      %get3A_550 = arith.constant 112 : index
      %get3A_551 = tpu.vector_load %arg7[%get3A_549, %get3A_550] {strides = array<i32>} : memref<8x128xi32, #tpu.memory_space<vmem>>, vector<16xi32>,
      %get3A_552 = arith.constant 0 : i32
      %get3A_553 = arith.index_cast %get3A_552 : i32 to index
      %get3A_554 = arith.constant 112 : index
      %get3A_555 = tpu.vector_load %arg8[%get3A_553, %get3A_554] {strides = array<i32>} : memref<8x128xi32, #tpu.memory_space<vmem>>, vector<16xi32>,
      %gather3A_556 = tpu.vector_load_idx %arg10[%get3A_551, %get3A_555] : memref<8x128xi32, #tpu.memory_space<vmem>>[vector<16xi32>, vector<16xi32>], vector<16xi32>,
      %swap3A_557 = arith.constant 112 : index
      %swap3A_558 = tpu.vector_load %arg12[%swap3A_557] {strides = array<i32>} : memref<400xi32, #tpu.memory_space<vmem>>, vector<16xi32>,
      tpu.vector_store %arg12[%swap3A_557], %gather3A_556 {strides = array<i32>} : memref<400xi32, #tpu.memory_space<vmem>>, vector<16xi32>,
      %get3A_559 = arith.constant 1 : i32
      %get3A_560 = arith.index_cast %get3A_559 : i32 to index
      %get3A_561 = arith.constant 0 : index
      %get3A_562 = tpu.vector_load %arg7[%get3A_560, %get3A_561] {strides = array<i32>} : memref<8x128xi32, #tpu.memory_space<vmem>>, vector<16xi32>,
      %get3A_563 = arith.constant 1 : i32
      %get3A_564 = arith.index_cast %get3A_563 : i32 to index
      %get3A_565 = arith.constant 0 : index
      %get3A_566 = tpu.vector_load %arg8[%get3A_564, %get3A_565] {strides = array<i32>} : memref<8x128xi32, #tpu.memory_space<vmem>>, vector<16xi32>,
      %gather3A_567 = tpu.vector_load_idx %arg10[%get3A_562, %get3A_566] : memref<8x128xi32, #tpu.memory_space<vmem>>[vector<16xi32>, vector<16xi32>], vector<16xi32>,
      %swap3A_568 = arith.constant 128 : index
      %swap3A_569 = tpu.vector_load %arg12[%swap3A_568] {strides = array<i32>} : memref<400xi32, #tpu.memory_space<vmem>>, vector<16xi32>,
      tpu.vector_store %arg12[%swap3A_568], %gather3A_567 {strides = array<i32>} : memref<400xi32, #tpu.memory_space<vmem>>, vector<16xi32>,
      %get3A_570 = arith.constant 1 : i32
      %get3A_571 = arith.index_cast %get3A_570 : i32 to index
      %get3A_572 = arith.constant 16 : index
      %get3A_573 = tpu.vector_load %arg7[%get3A_571, %get3A_572] {strides = array<i32>} : memref<8x128xi32, #tpu.memory_space<vmem>>, vector<16xi32>,
      %get3A_574 = arith.constant 1 : i32
      %get3A_575 = arith.index_cast %get3A_574 : i32 to index
      %get3A_576 = arith.constant 16 : index
      %get3A_577 = tpu.vector_load %arg8[%get3A_575, %get3A_576] {strides = array<i32>} : memref<8x128xi32, #tpu.memory_space<vmem>>, vector<16xi32>,
      %gather3A_578 = tpu.vector_load_idx %arg10[%get3A_573, %get3A_577] : memref<8x128xi32, #tpu.memory_space<vmem>>[vector<16xi32>, vector<16xi32>], vector<16xi32>,
      %swap3A_579 = arith.constant 144 : index
      %swap3A_580 = tpu.vector_load %arg12[%swap3A_579] {strides = array<i32>} : memref<400xi32, #tpu.memory_space<vmem>>, vector<16xi32>,
      tpu.vector_store %arg12[%swap3A_579], %gather3A_578 {strides = array<i32>} : memref<400xi32, #tpu.memory_space<vmem>>, vector<16xi32>,
      %get3A_581 = arith.constant 1 : i32
      %get3A_582 = arith.index_cast %get3A_581 : i32 to index
      %get3A_583 = arith.constant 32 : index
      %get3A_584 = tpu.vector_load %arg7[%get3A_582, %get3A_583] {strides = array<i32>} : memref<8x128xi32, #tpu.memory_space<vmem>>, vector<16xi32>,
      %get3A_585 = arith.constant 1 : i32
      %get3A_586 = arith.index_cast %get3A_585 : i32 to index
      %get3A_587 = arith.constant 32 : index
      %get3A_588 = tpu.vector_load %arg8[%get3A_586, %get3A_587] {strides = array<i32>} : memref<8x128xi32, #tpu.memory_space<vmem>>, vector<16xi32>,
      %gather3A_589 = tpu.vector_load_idx %arg10[%get3A_584, %get3A_588] : memref<8x128xi32, #tpu.memory_space<vmem>>[vector<16xi32>, vector<16xi32>], vector<16xi32>,
      %swap3A_590 = arith.constant 160 : index
      %swap3A_591 = tpu.vector_load %arg12[%swap3A_590] {strides = array<i32>} : memref<400xi32, #tpu.memory_space<vmem>>, vector<16xi32>,
      tpu.vector_store %arg12[%swap3A_590], %gather3A_589 {strides = array<i32>} : memref<400xi32, #tpu.memory_space<vmem>>, vector<16xi32>,
      %get3A_592 = arith.constant 1 : i32
      %get3A_593 = arith.index_cast %get3A_592 : i32 to index
      %get3A_594 = arith.constant 48 : index
      %get3A_595 = tpu.vector_load %arg7[%get3A_593, %get3A_594] {strides = array<i32>} : memref<8x128xi32, #tpu.memory_space<vmem>>, vector<16xi32>,
      %get3A_596 = arith.constant 1 : i32
      %get3A_597 = arith.index_cast %get3A_596 : i32 to index
      %get3A_598 = arith.constant 48 : index
      %get3A_599 = tpu.vector_load %arg8[%get3A_597, %get3A_598] {strides = array<i32>} : memref<8x128xi32, #tpu.memory_space<vmem>>, vector<16xi32>,
      %gather3A_600 = tpu.vector_load_idx %arg10[%get3A_595, %get3A_599] : memref<8x128xi32, #tpu.memory_space<vmem>>[vector<16xi32>, vector<16xi32>], vector<16xi32>,
      %swap3A_601 = arith.constant 176 : index
      %swap3A_602 = tpu.vector_load %arg12[%swap3A_601] {strides = array<i32>} : memref<400xi32, #tpu.memory_space<vmem>>, vector<16xi32>,
      tpu.vector_store %arg12[%swap3A_601], %gather3A_600 {strides = array<i32>} : memref<400xi32, #tpu.memory_space<vmem>>, vector<16xi32>,
      %get3A_603 = arith.constant 1 : i32
      %get3A_604 = arith.index_cast %get3A_603 : i32 to index
      %get3A_605 = arith.constant 64 : index
      %get3A_606 = tpu.vector_load %arg7[%get3A_604, %get3A_605] {strides = array<i32>} : memref<8x128xi32, #tpu.memory_space<vmem>>, vector<16xi32>,
      %get3A_607 = arith.constant 1 : i32
      %get3A_608 = arith.index_cast %get3A_607 : i32 to index
      %get3A_609 = arith.constant 64 : index
      %get3A_610 = tpu.vector_load %arg8[%get3A_608, %get3A_609] {strides = array<i32>} : memref<8x128xi32, #tpu.memory_space<vmem>>, vector<16xi32>,
      %gather3A_611 = tpu.vector_load_idx %arg10[%get3A_606, %get3A_610] : memref<8x128xi32, #tpu.memory_space<vmem>>[vector<16xi32>, vector<16xi32>], vector<16xi32>,
      %swap3A_612 = arith.constant 192 : index
      %swap3A_613 = tpu.vector_load %arg12[%swap3A_612] {strides = array<i32>} : memref<400xi32, #tpu.memory_space<vmem>>, vector<16xi32>,
      tpu.vector_store %arg12[%swap3A_612], %gather3A_611 {strides = array<i32>} : memref<400xi32, #tpu.memory_space<vmem>>, vector<16xi32>,
      %get3A_614 = arith.constant 1 : i32
      %get3A_615 = arith.index_cast %get3A_614 : i32 to index
      %get3A_616 = arith.constant 80 : index
      %get3A_617 = tpu.vector_load %arg7[%get3A_615, %get3A_616] {strides = array<i32>} : memref<8x128xi32, #tpu.memory_space<vmem>>, vector<16xi32>,
      %get3A_618 = arith.constant 1 : i32
      %get3A_619 = arith.index_cast %get3A_618 : i32 to index
      %get3A_620 = arith.constant 80 : index
      %get3A_621 = tpu.vector_load %arg8[%get3A_619, %get3A_620] {strides = array<i32>} : memref<8x128xi32, #tpu.memory_space<vmem>>, vector<16xi32>,
      %gather3A_622 = tpu.vector_load_idx %arg10[%get3A_617, %get3A_621] : memref<8x128xi32, #tpu.memory_space<vmem>>[vector<16xi32>, vector<16xi32>], vector<16xi32>,
      %swap3A_623 = arith.constant 208 : index
      %swap3A_624 = tpu.vector_load %arg12[%swap3A_623] {strides = array<i32>} : memref<400xi32, #tpu.memory_space<vmem>>, vector<16xi32>,
      tpu.vector_store %arg12[%swap3A_623], %gather3A_622 {strides = array<i32>} : memref<400xi32, #tpu.memory_space<vmem>>, vector<16xi32>,
      %get3A_625 = arith.constant 1 : i32
      %get3A_626 = arith.index_cast %get3A_625 : i32 to index
      %get3A_627 = arith.constant 96 : index
      %get3A_628 = tpu.vector_load %arg7[%get3A_626, %get3A_627] {strides = array<i32>} : memref<8x128xi32, #tpu.memory_space<vmem>>, vector<16xi32>,
      %get3A_629 = arith.constant 1 : i32
      %get3A_630 = arith.index_cast %get3A_629 : i32 to index
      %get3A_631 = arith.constant 96 : index
      %get3A_632 = tpu.vector_load %arg8[%get3A_630, %get3A_631] {strides = array<i32>} : memref<8x128xi32, #tpu.memory_space<vmem>>, vector<16xi32>,
      %gather3A_633 = tpu.vector_load_idx %arg10[%get3A_628, %get3A_632] : memref<8x128xi32, #tpu.memory_space<vmem>>[vector<16xi32>, vector<16xi32>], vector<16xi32>,
      %swap3A_634 = arith.constant 224 : index
      %swap3A_635 = tpu.vector_load %arg12[%swap3A_634] {strides = array<i32>} : memref<400xi32, #tpu.memory_space<vmem>>, vector<16xi32>,
      tpu.vector_store %arg12[%swap3A_634], %gather3A_633 {strides = array<i32>} : memref<400xi32, #tpu.memory_space<vmem>>, vector<16xi32>,
      %get3A_636 = arith.constant 1 : i32
      %get3A_637 = arith.index_cast %get3A_636 : i32 to index
      %get3A_638 = arith.constant 112 : index
      %get3A_639 = tpu.vector_load %arg7[%get3A_637, %get3A_638] {strides = array<i32>} : memref<8x128xi32, #tpu.memory_space<vmem>>, vector<16xi32>,
      %get3A_640 = arith.constant 1 : i32
      %get3A_641 = arith.index_cast %get3A_640 : i32 to index
      %get3A_642 = arith.constant 112 : index
      %get3A_643 = tpu.vector_load %arg8[%get3A_641, %get3A_642] {strides = array<i32>} : memref<8x128xi32, #tpu.memory_space<vmem>>, vector<16xi32>,
      %gather3A_644 = tpu.vector_load_idx %arg10[%get3A_639, %get3A_643] : memref<8x128xi32, #tpu.memory_space<vmem>>[vector<16xi32>, vector<16xi32>], vector<16xi32>,
      %swap3A_645 = arith.constant 240 : index
      %swap3A_646 = tpu.vector_load %arg12[%swap3A_645] {strides = array<i32>} : memref<400xi32, #tpu.memory_space<vmem>>, vector<16xi32>,
      tpu.vector_store %arg12[%swap3A_645], %gather3A_644 {strides = array<i32>} : memref<400xi32, #tpu.memory_space<vmem>>, vector<16xi32>,
      %get3A_647 = arith.constant 2 : i32
      %get3A_648 = arith.index_cast %get3A_647 : i32 to index
      %get3A_649 = arith.constant 0 : index
      %get3A_650 = tpu.vector_load %arg7[%get3A_648, %get3A_649] {strides = array<i32>} : memref<8x128xi32, #tpu.memory_space<vmem>>, vector<16xi32>,
      %get3A_651 = arith.constant 2 : i32
      %get3A_652 = arith.index_cast %get3A_651 : i32 to index
      %get3A_653 = arith.constant 0 : index
      %get3A_654 = tpu.vector_load %arg8[%get3A_652, %get3A_653] {strides = array<i32>} : memref<8x128xi32, #tpu.memory_space<vmem>>, vector<16xi32>,
      %gather3A_655 = tpu.vector_load_idx %arg10[%get3A_650, %get3A_654] : memref<8x128xi32, #tpu.memory_space<vmem>>[vector<16xi32>, vector<16xi32>], vector<16xi32>,
      %swap3A_656 = arith.constant 256 : index
      %swap3A_657 = tpu.vector_load %arg12[%swap3A_656] {strides = array<i32>} : memref<400xi32, #tpu.memory_space<vmem>>, vector<16xi32>,
      tpu.vector_store %arg12[%swap3A_656], %gather3A_655 {strides = array<i32>} : memref<400xi32, #tpu.memory_space<vmem>>, vector<16xi32>,
      %get3A_658 = arith.constant 2 : i32
      %get3A_659 = arith.index_cast %get3A_658 : i32 to index
      %get3A_660 = arith.constant 16 : index
      %get3A_661 = tpu.vector_load %arg7[%get3A_659, %get3A_660] {strides = array<i32>} : memref<8x128xi32, #tpu.memory_space<vmem>>, vector<16xi32>,
      %get3A_662 = arith.constant 2 : i32
      %get3A_663 = arith.index_cast %get3A_662 : i32 to index
      %get3A_664 = arith.constant 16 : index
      %get3A_665 = tpu.vector_load %arg8[%get3A_663, %get3A_664] {strides = array<i32>} : memref<8x128xi32, #tpu.memory_space<vmem>>, vector<16xi32>,
      %gather3A_666 = tpu.vector_load_idx %arg10[%get3A_661, %get3A_665] : memref<8x128xi32, #tpu.memory_space<vmem>>[vector<16xi32>, vector<16xi32>], vector<16xi32>,
      %swap3A_667 = arith.constant 272 : index
      %swap3A_668 = tpu.vector_load %arg12[%swap3A_667] {strides = array<i32>} : memref<400xi32, #tpu.memory_space<vmem>>, vector<16xi32>,
      tpu.vector_store %arg12[%swap3A_667], %gather3A_666 {strides = array<i32>} : memref<400xi32, #tpu.memory_space<vmem>>, vector<16xi32>,
      %get3A_669 = arith.constant 2 : i32
      %get3A_670 = arith.index_cast %get3A_669 : i32 to index
      %get3A_671 = arith.constant 32 : index
      %get3A_672 = tpu.vector_load %arg7[%get3A_670, %get3A_671] {strides = array<i32>} : memref<8x128xi32, #tpu.memory_space<vmem>>, vector<16xi32>,
      %get3A_673 = arith.constant 2 : i32
      %get3A_674 = arith.index_cast %get3A_673 : i32 to index
      %get3A_675 = arith.constant 32 : index
      %get3A_676 = tpu.vector_load %arg8[%get3A_674, %get3A_675] {strides = array<i32>} : memref<8x128xi32, #tpu.memory_space<vmem>>, vector<16xi32>,
      %gather3A_677 = tpu.vector_load_idx %arg10[%get3A_672, %get3A_676] : memref<8x128xi32, #tpu.memory_space<vmem>>[vector<16xi32>, vector<16xi32>], vector<16xi32>,
      %swap3A_678 = arith.constant 288 : index
      %swap3A_679 = tpu.vector_load %arg12[%swap3A_678] {strides = array<i32>} : memref<400xi32, #tpu.memory_space<vmem>>, vector<16xi32>,
      tpu.vector_store %arg12[%swap3A_678], %gather3A_677 {strides = array<i32>} : memref<400xi32, #tpu.memory_space<vmem>>, vector<16xi32>,
      %get3A_680 = arith.constant 2 : i32
      %get3A_681 = arith.index_cast %get3A_680 : i32 to index
      %get3A_682 = arith.constant 48 : index
      %get3A_683 = tpu.vector_load %arg7[%get3A_681, %get3A_682] {strides = array<i32>} : memref<8x128xi32, #tpu.memory_space<vmem>>, vector<16xi32>,
      %get3A_684 = arith.constant 2 : i32
      %get3A_685 = arith.index_cast %get3A_684 : i32 to index
      %get3A_686 = arith.constant 48 : index
      %get3A_687 = tpu.vector_load %arg8[%get3A_685, %get3A_686] {strides = array<i32>} : memref<8x128xi32, #tpu.memory_space<vmem>>, vector<16xi32>,
      %gather3A_688 = tpu.vector_load_idx %arg10[%get3A_683, %get3A_687] : memref<8x128xi32, #tpu.memory_space<vmem>>[vector<16xi32>, vector<16xi32>], vector<16xi32>,
      %swap3A_689 = arith.constant 304 : index
      %swap3A_690 = tpu.vector_load %arg12[%swap3A_689] {strides = array<i32>} : memref<400xi32, #tpu.memory_space<vmem>>, vector<16xi32>,
      tpu.vector_store %arg12[%swap3A_689], %gather3A_688 {strides = array<i32>} : memref<400xi32, #tpu.memory_space<vmem>>, vector<16xi32>,
      %get3A_691 = arith.constant 2 : i32
      %get3A_692 = arith.index_cast %get3A_691 : i32 to index
      %get3A_693 = arith.constant 64 : index
      %get3A_694 = tpu.vector_load %arg7[%get3A_692, %get3A_693] {strides = array<i32>} : memref<8x128xi32, #tpu.memory_space<vmem>>, vector<16xi32>,
      %get3A_695 = arith.constant 2 : i32
      %get3A_696 = arith.index_cast %get3A_695 : i32 to index
      %get3A_697 = arith.constant 64 : index
      %get3A_698 = tpu.vector_load %arg8[%get3A_696, %get3A_697] {strides = array<i32>} : memref<8x128xi32, #tpu.memory_space<vmem>>, vector<16xi32>,
      %gather3A_699 = tpu.vector_load_idx %arg10[%get3A_694, %get3A_698] : memref<8x128xi32, #tpu.memory_space<vmem>>[vector<16xi32>, vector<16xi32>], vector<16xi32>,
      %swap3A_700 = arith.constant 320 : index
      %swap3A_701 = tpu.vector_load %arg12[%swap3A_700] {strides = array<i32>} : memref<400xi32, #tpu.memory_space<vmem>>, vector<16xi32>,
      tpu.vector_store %arg12[%swap3A_700], %gather3A_699 {strides = array<i32>} : memref<400xi32, #tpu.memory_space<vmem>>, vector<16xi32>,
      %get3A_702 = arith.constant 2 : i32
      %get3A_703 = arith.index_cast %get3A_702 : i32 to index
      %get3A_704 = arith.constant 80 : index
      %get3A_705 = tpu.vector_load %arg7[%get3A_703, %get3A_704] {strides = array<i32>} : memref<8x128xi32, #tpu.memory_space<vmem>>, vector<16xi32>,
      %get3A_706 = arith.constant 2 : i32
      %get3A_707 = arith.index_cast %get3A_706 : i32 to index
      %get3A_708 = arith.constant 80 : index
      %get3A_709 = tpu.vector_load %arg8[%get3A_707, %get3A_708] {strides = array<i32>} : memref<8x128xi32, #tpu.memory_space<vmem>>, vector<16xi32>,
      %gather3A_710 = tpu.vector_load_idx %arg10[%get3A_705, %get3A_709] : memref<8x128xi32, #tpu.memory_space<vmem>>[vector<16xi32>, vector<16xi32>], vector<16xi32>,
      %swap3A_711 = arith.constant 336 : index
      %swap3A_712 = tpu.vector_load %arg12[%swap3A_711] {strides = array<i32>} : memref<400xi32, #tpu.memory_space<vmem>>, vector<16xi32>,
      tpu.vector_store %arg12[%swap3A_711], %gather3A_710 {strides = array<i32>} : memref<400xi32, #tpu.memory_space<vmem>>, vector<16xi32>,
      %get3A_713 = arith.constant 2 : i32
      %get3A_714 = arith.index_cast %get3A_713 : i32 to index
      %get3A_715 = arith.constant 96 : index
      %get3A_716 = tpu.vector_load %arg7[%get3A_714, %get3A_715] {strides = array<i32>} : memref<8x128xi32, #tpu.memory_space<vmem>>, vector<16xi32>,
      %get3A_717 = arith.constant 2 : i32
      %get3A_718 = arith.index_cast %get3A_717 : i32 to index
      %get3A_719 = arith.constant 96 : index
      %get3A_720 = tpu.vector_load %arg8[%get3A_718, %get3A_719] {strides = array<i32>} : memref<8x128xi32, #tpu.memory_space<vmem>>, vector<16xi32>,
      %gather3A_721 = tpu.vector_load_idx %arg10[%get3A_716, %get3A_720] : memref<8x128xi32, #tpu.memory_space<vmem>>[vector<16xi32>, vector<16xi32>], vector<16xi32>,
      %swap3A_722 = arith.constant 352 : index
      %swap3A_723 = tpu.vector_load %arg12[%swap3A_722] {strides = array<i32>} : memref<400xi32, #tpu.memory_space<vmem>>, vector<16xi32>,
      tpu.vector_store %arg12[%swap3A_722], %gather3A_721 {strides = array<i32>} : memref<400xi32, #tpu.memory_space<vmem>>, vector<16xi32>,
      %get3A_724 = arith.constant 2 : i32
      %get3A_725 = arith.index_cast %get3A_724 : i32 to index
      %get3A_726 = arith.constant 112 : index
      %get3A_727 = tpu.vector_load %arg7[%get3A_725, %get3A_726] {strides = array<i32>} : memref<8x128xi32, #tpu.memory_space<vmem>>, vector<16xi32>,
      %get3A_728 = arith.constant 2 : i32
      %get3A_729 = arith.index_cast %get3A_728 : i32 to index
      %get3A_730 = arith.constant 112 : index
      %get3A_731 = tpu.vector_load %arg8[%get3A_729, %get3A_730] {strides = array<i32>} : memref<8x128xi32, #tpu.memory_space<vmem>>, vector<16xi32>,
      %gather3A_732 = tpu.vector_load_idx %arg10[%get3A_727, %get3A_731] : memref<8x128xi32, #tpu.memory_space<vmem>>[vector<16xi32>, vector<16xi32>], vector<16xi32>,
      %swap3A_733 = arith.constant 368 : index
      %swap3A_734 = tpu.vector_load %arg12[%swap3A_733] {strides = array<i32>} : memref<400xi32, #tpu.memory_space<vmem>>, vector<16xi32>,
      tpu.vector_store %arg12[%swap3A_733], %gather3A_732 {strides = array<i32>} : memref<400xi32, #tpu.memory_space<vmem>>, vector<16xi32>,
      %get3A_735 = arith.constant 3 : i32
      %get3A_736 = arith.index_cast %get3A_735 : i32 to index
      %get3A_737 = arith.constant 0 : index
      %get3A_738 = tpu.vector_load %arg7[%get3A_736, %get3A_737] {strides = array<i32>} : memref<8x128xi32, #tpu.memory_space<vmem>>, vector<16xi32>,
      %get3A_739 = arith.constant 3 : i32
      %get3A_740 = arith.index_cast %get3A_739 : i32 to index
      %get3A_741 = arith.constant 0 : index
      %get3A_742 = tpu.vector_load %arg8[%get3A_740, %get3A_741] {strides = array<i32>} : memref<8x128xi32, #tpu.memory_space<vmem>>, vector<16xi32>,
      %gather3A_743 = tpu.vector_load_idx %arg10[%get3A_738, %get3A_742] : memref<8x128xi32, #tpu.memory_space<vmem>>[vector<16xi32>, vector<16xi32>], vector<16xi32>,
      %swap3A_744 = arith.constant 384 : index
      %swap3A_745 = tpu.vector_load %arg12[%swap3A_744] {strides = array<i32>} : memref<400xi32, #tpu.memory_space<vmem>>, vector<16xi32>,
      tpu.vector_store %arg12[%swap3A_744], %gather3A_743 {strides = array<i32>} : memref<400xi32, #tpu.memory_space<vmem>>, vector<16xi32>,
      %dma_start3A_746 = arith.constant 0 : i32
      %dma_start3A_747 = arith.constant 0 : i32
      %dma_start3A_748 = tpu.memref_slice %arg2[%dma_start3A_746, %dma_start3A_747] : memref<1000000x128xf32, #tpu.memory_space<hbm>> -> memref<1000000x128xf32, #tpu.memory_space<hbm>>
      tpu.enqueue_indirect_dma source(%dma_start3A_748 : memref<1000000x128xf32, #tpu.memory_space<hbm>>) target(%arg14 : memref<400x128xf32, #tpu.memory_space<vmem>>) offsets(%arg12 : memref<400xi32, #tpu.memory_space<vmem>>) semaphore(%arg18 : memref<!tpu.dma_semaphore, #tpu.memory_space<semaphore_mem>>)
      %dma_wait3A_749 = arith.constant 0 : i32
      %dma_wait3A_750 = arith.constant 0 : i32
      %dma_wait3A_751 = tpu.memref_slice %arg2[%dma_wait3A_749, %dma_wait3A_750] : memref<1000000x128xf32, #tpu.memory_space<hbm>> -> memref<1000000x128xf32, #tpu.memory_space<hbm>>
      tpu.wait_indirect_dma semaphore(%arg18 : memref<!tpu.dma_semaphore, #tpu.memory_space<semaphore_mem>>) src(%dma_wait3A_751 : memref<1000000x128xf32, #tpu.memory_space<hbm>>) dst(%arg14 : memref<400x128xf32, #tpu.memory_space<vmem>>)
      %add3A_752 = arith.constant 1 : i32
      %add3A_753 = arith.addi %scan3A_19, %add3A_752 : i32
      %lt3A_754 = arith.constant 32 : i32
      %lt3A_755 = arith.cmpi slt, %add3A_753, %lt3A_754 : i32
      %convert_element_type3A_756 = arith.extui %lt3A_755 : i1 to i32
      %cond3A_757 = arith.constant 0 : i32
      %cond3A_758 = arith.cmpi ne, %convert_element_type3A_756, %cond3A_757 : i32
      scf.if %cond3A_758 {
        %add3A_1219 = arith.constant 3 : i32
        %add3A_1220 = arith.addi %mul3A_21, %add3A_1219 : i32
        %mul3A_1221 = arith.constant 8 : i32
        %mul3A_1222 = arith.muli %add3A_1220, %mul3A_1221 : i32
        %add3A_1223 = arith.addi %mul3A_2, %mul3A_1222 : i32
        %dma_start3A_1224 = arith.constant 0 : i32
        %dma_start3A_1225 = tpu.memref_slice %arg3[%add3A_1223, %dma_start3A_1224] : memref<16384x128xi32, #tpu.memory_space<hbm>> -> memref<8x128xi32, #tpu.memory_space<hbm>>
        %dma_start3A_1226 = arith.constant 0 : i32
        %dma_start3A_1227 = tpu.memref_slice %arg3[%add3A_1223, %dma_start3A_1226] : memref<16384x128xi32, #tpu.memory_space<hbm>> -> memref<8x128xi32, #tpu.memory_space<hbm>>
        tpu.enqueue_dma source(%dma_start3A_1227 : memref<8x128xi32, #tpu.memory_space<hbm>>) target(%arg10 : memref<8x128xi32, #tpu.memory_space<vmem>>) target_semaphore(%arg16 : memref<!tpu.dma_semaphore, #tpu.memory_space<semaphore_mem>>)
      } else {
      }
      %add3A_759 = arith.constant 1 : i32
      %add3A_760 = arith.addi %mul3A_21, %add3A_759 : i32
      %mul3A_761 = arith.constant 8 : i32
      %mul3A_762 = arith.muli %add3A_760, %mul3A_761 : i32
      %add3A_763 = arith.addi %mul3A_2, %mul3A_762 : i32
      %add3A_764 = arith.constant 0 : i32
      %add3A_765 = arith.addi %add3A_763, %add3A_764 : i32
      %dma_start3A_766 = arith.constant 0 : i32
      %dma_start3A_767 = arith.constant 0 : i32
      %dma_start3A_768 = tpu.memref_slice %arg14[%dma_start3A_766, %dma_start3A_767] : memref<400x128xf32, #tpu.memory_space<vmem>> -> memref<50x32xf32, #tpu.memory_space<vmem>>
      %dma_start3A_769 = arith.constant 0 : i32
      %dma_start3A_770 = arith.constant 0 : i32
      %dma_start3A_771 = tpu.memref_slice %arg6[%add3A_765, %dma_start3A_769, %dma_start3A_770] : memref<16384x50x32xf32, #tpu.memory_space<hbm>> -> memref<1x50x32xf32, #tpu.memory_space<hbm>>
      %dma_start3A_772 = tpu.memref_squeeze %dma_start3A_771 : memref<1x50x32xf32, #tpu.memory_space<hbm>> -> memref<50x32xf32, #tpu.memory_space<hbm>>
      %dma_start3A_773 = arith.constant 0 : i32
      %dma_start3A_774 = arith.constant 0 : i32
      %dma_start3A_775 = tpu.memref_slice %arg6[%add3A_765, %dma_start3A_773, %dma_start3A_774] : memref<16384x50x32xf32, #tpu.memory_space<hbm>> -> memref<1x50x32xf32, #tpu.memory_space<hbm>>
      %dma_start3A_776 = tpu.memref_squeeze %dma_start3A_775 : memref<1x50x32xf32, #tpu.memory_space<hbm>> -> memref<50x32xf32, #tpu.memory_space<hbm>>
      %dma_start3A_777 = arith.constant 0 : i32
      %dma_start3A_778 = arith.constant 0 : i32
      %dma_start3A_779 = tpu.memref_slice %arg14[%dma_start3A_777, %dma_start3A_778] : memref<400x128xf32, #tpu.memory_space<vmem>> -> memref<50x32xf32, #tpu.memory_space<vmem>>
      tpu.enqueue_dma source(%dma_start3A_779 : memref<50x32xf32, #tpu.memory_space<vmem>>) target(%dma_start3A_776 : memref<50x32xf32, #tpu.memory_space<hbm>>) target_semaphore(%arg20 : memref<!tpu.dma_semaphore, #tpu.memory_space<semaphore_mem>>)
      %mul3A_780 = arith.constant 8 : i32
      %mul3A_781 = arith.muli %add3A_760, %mul3A_780 : i32
      %add3A_782 = arith.addi %mul3A_2, %mul3A_781 : i32
      %add3A_783 = arith.constant 1 : i32
      %add3A_784 = arith.addi %add3A_782, %add3A_783 : i32
      %dma_start3A_785 = arith.constant 50 : i32
      %dma_start3A_786 = arith.constant 0 : i32
      %dma_start3A_787 = tpu.memref_slice %arg14[%dma_start3A_785, %dma_start3A_786] : memref<400x128xf32, #tpu.memory_space<vmem>> -> memref<50x32xf32, #tpu.memory_space<vmem>>
      %dma_start3A_788 = arith.constant 0 : i32
      %dma_start3A_789 = arith.constant 0 : i32
      %dma_start3A_790 = tpu.memref_slice %arg6[%add3A_784, %dma_start3A_788, %dma_start3A_789] : memref<16384x50x32xf32, #tpu.memory_space<hbm>> -> memref<1x50x32xf32, #tpu.memory_space<hbm>>
      %dma_start3A_791 = tpu.memref_squeeze %dma_start3A_790 : memref<1x50x32xf32, #tpu.memory_space<hbm>> -> memref<50x32xf32, #tpu.memory_space<hbm>>
      %dma_start3A_792 = arith.constant 0 : i32
      %dma_start3A_793 = arith.constant 0 : i32
      %dma_start3A_794 = tpu.memref_slice %arg6[%add3A_784, %dma_start3A_792, %dma_start3A_793] : memref<16384x50x32xf32, #tpu.memory_space<hbm>> -> memref<1x50x32xf32, #tpu.memory_space<hbm>>
      %dma_start3A_795 = tpu.memref_squeeze %dma_start3A_794 : memref<1x50x32xf32, #tpu.memory_space<hbm>> -> memref<50x32xf32, #tpu.memory_space<hbm>>
      %dma_start3A_796 = arith.constant 50 : i32
      %dma_start3A_797 = arith.constant 0 : i32
      %dma_start3A_798 = tpu.memref_slice %arg14[%dma_start3A_796, %dma_start3A_797] : memref<400x128xf32, #tpu.memory_space<vmem>> -> memref<50x32xf32, #tpu.memory_space<vmem>>
      tpu.enqueue_dma source(%dma_start3A_798 : memref<50x32xf32, #tpu.memory_space<vmem>>) target(%dma_start3A_795 : memref<50x32xf32, #tpu.memory_space<hbm>>) target_semaphore(%arg20 : memref<!tpu.dma_semaphore, #tpu.memory_space<semaphore_mem>>)
      %mul3A_799 = arith.constant 8 : i32
      %mul3A_800 = arith.muli %add3A_760, %mul3A_799 : i32
      %add3A_801 = arith.addi %mul3A_2, %mul3A_800 : i32
      %add3A_802 = arith.constant 2 : i32
      %add3A_803 = arith.addi %add3A_801, %add3A_802 : i32
      %dma_start3A_804 = arith.constant 100 : i32
      %dma_start3A_805 = arith.constant 0 : i32
      %dma_start3A_806 = tpu.memref_slice %arg14[%dma_start3A_804, %dma_start3A_805] : memref<400x128xf32, #tpu.memory_space<vmem>> -> memref<50x32xf32, #tpu.memory_space<vmem>>
      %dma_start3A_807 = arith.constant 0 : i32
      %dma_start3A_808 = arith.constant 0 : i32
      %dma_start3A_809 = tpu.memref_slice %arg6[%add3A_803, %dma_start3A_807, %dma_start3A_808] : memref<16384x50x32xf32, #tpu.memory_space<hbm>> -> memref<1x50x32xf32, #tpu.memory_space<hbm>>
      %dma_start3A_810 = tpu.memref_squeeze %dma_start3A_809 : memref<1x50x32xf32, #tpu.memory_space<hbm>> -> memref<50x32xf32, #tpu.memory_space<hbm>>
      %dma_start3A_811 = arith.constant 0 : i32
      %dma_start3A_812 = arith.constant 0 : i32
      %dma_start3A_813 = tpu.memref_slice %arg6[%add3A_803, %dma_start3A_811, %dma_start3A_812] : memref<16384x50x32xf32, #tpu.memory_space<hbm>> -> memref<1x50x32xf32, #tpu.memory_space<hbm>>
      %dma_start3A_814 = tpu.memref_squeeze %dma_start3A_813 : memref<1x50x32xf32, #tpu.memory_space<hbm>> -> memref<50x32xf32, #tpu.memory_space<hbm>>
      %dma_start3A_815 = arith.constant 100 : i32
      %dma_start3A_816 = arith.constant 0 : i32
      %dma_start3A_817 = tpu.memref_slice %arg14[%dma_start3A_815, %dma_start3A_816] : memref<400x128xf32, #tpu.memory_space<vmem>> -> memref<50x32xf32, #tpu.memory_space<vmem>>
      tpu.enqueue_dma source(%dma_start3A_817 : memref<50x32xf32, #tpu.memory_space<vmem>>) target(%dma_start3A_814 : memref<50x32xf32, #tpu.memory_space<hbm>>) target_semaphore(%arg20 : memref<!tpu.dma_semaphore, #tpu.memory_space<semaphore_mem>>)
      %mul3A_818 = arith.constant 8 : i32
      %mul3A_819 = arith.muli %add3A_760, %mul3A_818 : i32
      %add3A_820 = arith.addi %mul3A_2, %mul3A_819 : i32
      %add3A_821 = arith.constant 3 : i32
      %add3A_822 = arith.addi %add3A_820, %add3A_821 : i32
      %dma_start3A_823 = arith.constant 150 : i32
      %dma_start3A_824 = arith.constant 0 : i32
      %dma_start3A_825 = tpu.memref_slice %arg14[%dma_start3A_823, %dma_start3A_824] : memref<400x128xf32, #tpu.memory_space<vmem>> -> memref<50x32xf32, #tpu.memory_space<vmem>>
      %dma_start3A_826 = arith.constant 0 : i32
      %dma_start3A_827 = arith.constant 0 : i32
      %dma_start3A_828 = tpu.memref_slice %arg6[%add3A_822, %dma_start3A_826, %dma_start3A_827] : memref<16384x50x32xf32, #tpu.memory_space<hbm>> -> memref<1x50x32xf32, #tpu.memory_space<hbm>>
      %dma_start3A_829 = tpu.memref_squeeze %dma_start3A_828 : memref<1x50x32xf32, #tpu.memory_space<hbm>> -> memref<50x32xf32, #tpu.memory_space<hbm>>
      %dma_start3A_830 = arith.constant 0 : i32
      %dma_start3A_831 = arith.constant 0 : i32
      %dma_start3A_832 = tpu.memref_slice %arg6[%add3A_822, %dma_start3A_830, %dma_start3A_831] : memref<16384x50x32xf32, #tpu.memory_space<hbm>> -> memref<1x50x32xf32, #tpu.memory_space<hbm>>
      %dma_start3A_833 = tpu.memref_squeeze %dma_start3A_832 : memref<1x50x32xf32, #tpu.memory_space<hbm>> -> memref<50x32xf32, #tpu.memory_space<hbm>>
      %dma_start3A_834 = arith.constant 150 : i32
      %dma_start3A_835 = arith.constant 0 : i32
      %dma_start3A_836 = tpu.memref_slice %arg14[%dma_start3A_834, %dma_start3A_835] : memref<400x128xf32, #tpu.memory_space<vmem>> -> memref<50x32xf32, #tpu.memory_space<vmem>>
      tpu.enqueue_dma source(%dma_start3A_836 : memref<50x32xf32, #tpu.memory_space<vmem>>) target(%dma_start3A_833 : memref<50x32xf32, #tpu.memory_space<hbm>>) target_semaphore(%arg20 : memref<!tpu.dma_semaphore, #tpu.memory_space<semaphore_mem>>)
      %mul3A_837 = arith.constant 8 : i32
      %mul3A_838 = arith.muli %add3A_760, %mul3A_837 : i32
      %add3A_839 = arith.addi %mul3A_2, %mul3A_838 : i32
      %add3A_840 = arith.constant 4 : i32
      %add3A_841 = arith.addi %add3A_839, %add3A_840 : i32
      %dma_start3A_842 = arith.constant 200 : i32
      %dma_start3A_843 = arith.constant 0 : i32
      %dma_start3A_844 = tpu.memref_slice %arg14[%dma_start3A_842, %dma_start3A_843] : memref<400x128xf32, #tpu.memory_space<vmem>> -> memref<50x32xf32, #tpu.memory_space<vmem>>
      %dma_start3A_845 = arith.constant 0 : i32
      %dma_start3A_846 = arith.constant 0 : i32
      %dma_start3A_847 = tpu.memref_slice %arg6[%add3A_841, %dma_start3A_845, %dma_start3A_846] : memref<16384x50x32xf32, #tpu.memory_space<hbm>> -> memref<1x50x32xf32, #tpu.memory_space<hbm>>
      %dma_start3A_848 = tpu.memref_squeeze %dma_start3A_847 : memref<1x50x32xf32, #tpu.memory_space<hbm>> -> memref<50x32xf32, #tpu.memory_space<hbm>>
      %dma_start3A_849 = arith.constant 0 : i32
      %dma_start3A_850 = arith.constant 0 : i32
      %dma_start3A_851 = tpu.memref_slice %arg6[%add3A_841, %dma_start3A_849, %dma_start3A_850] : memref<16384x50x32xf32, #tpu.memory_space<hbm>> -> memref<1x50x32xf32, #tpu.memory_space<hbm>>
      %dma_start3A_852 = tpu.memref_squeeze %dma_start3A_851 : memref<1x50x32xf32, #tpu.memory_space<hbm>> -> memref<50x32xf32, #tpu.memory_space<hbm>>
      %dma_start3A_853 = arith.constant 200 : i32
      %dma_start3A_854 = arith.constant 0 : i32
      %dma_start3A_855 = tpu.memref_slice %arg14[%dma_start3A_853, %dma_start3A_854] : memref<400x128xf32, #tpu.memory_space<vmem>> -> memref<50x32xf32, #tpu.memory_space<vmem>>
      tpu.enqueue_dma source(%dma_start3A_855 : memref<50x32xf32, #tpu.memory_space<vmem>>) target(%dma_start3A_852 : memref<50x32xf32, #tpu.memory_space<hbm>>) target_semaphore(%arg20 : memref<!tpu.dma_semaphore, #tpu.memory_space<semaphore_mem>>)
      %mul3A_856 = arith.constant 8 : i32
      %mul3A_857 = arith.muli %add3A_760, %mul3A_856 : i32
      %add3A_858 = arith.addi %mul3A_2, %mul3A_857 : i32
      %add3A_859 = arith.constant 5 : i32
      %add3A_860 = arith.addi %add3A_858, %add3A_859 : i32
      %dma_start3A_861 = arith.constant 250 : i32
      %dma_start3A_862 = arith.constant 0 : i32
      %dma_start3A_863 = tpu.memref_slice %arg14[%dma_start3A_861, %dma_start3A_862] : memref<400x128xf32, #tpu.memory_space<vmem>> -> memref<50x32xf32, #tpu.memory_space<vmem>>
      %dma_start3A_864 = arith.constant 0 : i32
      %dma_start3A_865 = arith.constant 0 : i32
      %dma_start3A_866 = tpu.memref_slice %arg6[%add3A_860, %dma_start3A_864, %dma_start3A_865] : memref<16384x50x32xf32, #tpu.memory_space<hbm>> -> memref<1x50x32xf32, #tpu.memory_space<hbm>>
      %dma_start3A_867 = tpu.memref_squeeze %dma_start3A_866 : memref<1x50x32xf32, #tpu.memory_space<hbm>> -> memref<50x32xf32, #tpu.memory_space<hbm>>
      %dma_start3A_868 = arith.constant 0 : i32
      %dma_start3A_869 = arith.constant 0 : i32
      %dma_start3A_870 = tpu.memref_slice %arg6[%add3A_860, %dma_start3A_868, %dma_start3A_869] : memref<16384x50x32xf32, #tpu.memory_space<hbm>> -> memref<1x50x32xf32, #tpu.memory_space<hbm>>
      %dma_start3A_871 = tpu.memref_squeeze %dma_start3A_870 : memref<1x50x32xf32, #tpu.memory_space<hbm>> -> memref<50x32xf32, #tpu.memory_space<hbm>>
      %dma_start3A_872 = arith.constant 250 : i32
      %dma_start3A_873 = arith.constant 0 : i32
      %dma_start3A_874 = tpu.memref_slice %arg14[%dma_start3A_872, %dma_start3A_873] : memref<400x128xf32, #tpu.memory_space<vmem>> -> memref<50x32xf32, #tpu.memory_space<vmem>>
      tpu.enqueue_dma source(%dma_start3A_874 : memref<50x32xf32, #tpu.memory_space<vmem>>) target(%dma_start3A_871 : memref<50x32xf32, #tpu.memory_space<hbm>>) target_semaphore(%arg20 : memref<!tpu.dma_semaphore, #tpu.memory_space<semaphore_mem>>)
      %mul3A_875 = arith.constant 8 : i32
      %mul3A_876 = arith.muli %add3A_760, %mul3A_875 : i32
      %add3A_877 = arith.addi %mul3A_2, %mul3A_876 : i32
      %add3A_878 = arith.constant 6 : i32
      %add3A_879 = arith.addi %add3A_877, %add3A_878 : i32
      %dma_start3A_880 = arith.constant 300 : i32
      %dma_start3A_881 = arith.constant 0 : i32
      %dma_start3A_882 = tpu.memref_slice %arg14[%dma_start3A_880, %dma_start3A_881] : memref<400x128xf32, #tpu.memory_space<vmem>> -> memref<50x32xf32, #tpu.memory_space<vmem>>
      %dma_start3A_883 = arith.constant 0 : i32
      %dma_start3A_884 = arith.constant 0 : i32
      %dma_start3A_885 = tpu.memref_slice %arg6[%add3A_879, %dma_start3A_883, %dma_start3A_884] : memref<16384x50x32xf32, #tpu.memory_space<hbm>> -> memref<1x50x32xf32, #tpu.memory_space<hbm>>
      %dma_start3A_886 = tpu.memref_squeeze %dma_start3A_885 : memref<1x50x32xf32, #tpu.memory_space<hbm>> -> memref<50x32xf32, #tpu.memory_space<hbm>>
      %dma_start3A_887 = arith.constant 0 : i32
      %dma_start3A_888 = arith.constant 0 : i32
      %dma_start3A_889 = tpu.memref_slice %arg6[%add3A_879, %dma_start3A_887, %dma_start3A_888] : memref<16384x50x32xf32, #tpu.memory_space<hbm>> -> memref<1x50x32xf32, #tpu.memory_space<hbm>>
      %dma_start3A_890 = tpu.memref_squeeze %dma_start3A_889 : memref<1x50x32xf32, #tpu.memory_space<hbm>> -> memref<50x32xf32, #tpu.memory_space<hbm>>
      %dma_start3A_891 = arith.constant 300 : i32
      %dma_start3A_892 = arith.constant 0 : i32
      %dma_start3A_893 = tpu.memref_slice %arg14[%dma_start3A_891, %dma_start3A_892] : memref<400x128xf32, #tpu.memory_space<vmem>> -> memref<50x32xf32, #tpu.memory_space<vmem>>
      tpu.enqueue_dma source(%dma_start3A_893 : memref<50x32xf32, #tpu.memory_space<vmem>>) target(%dma_start3A_890 : memref<50x32xf32, #tpu.memory_space<hbm>>) target_semaphore(%arg20 : memref<!tpu.dma_semaphore, #tpu.memory_space<semaphore_mem>>)
      %mul3A_894 = arith.constant 8 : i32
      %mul3A_895 = arith.muli %add3A_760, %mul3A_894 : i32
      %add3A_896 = arith.addi %mul3A_2, %mul3A_895 : i32
      %add3A_897 = arith.constant 7 : i32
      %add3A_898 = arith.addi %add3A_896, %add3A_897 : i32
      %dma_start3A_899 = arith.constant 350 : i32
      %dma_start3A_900 = arith.constant 0 : i32
      %dma_start3A_901 = tpu.memref_slice %arg14[%dma_start3A_899, %dma_start3A_900] : memref<400x128xf32, #tpu.memory_space<vmem>> -> memref<50x32xf32, #tpu.memory_space<vmem>>
      %dma_start3A_902 = arith.constant 0 : i32
      %dma_start3A_903 = arith.constant 0 : i32
      %dma_start3A_904 = tpu.memref_slice %arg6[%add3A_898, %dma_start3A_902, %dma_start3A_903] : memref<16384x50x32xf32, #tpu.memory_space<hbm>> -> memref<1x50x32xf32, #tpu.memory_space<hbm>>
      %dma_start3A_905 = tpu.memref_squeeze %dma_start3A_904 : memref<1x50x32xf32, #tpu.memory_space<hbm>> -> memref<50x32xf32, #tpu.memory_space<hbm>>
      %dma_start3A_906 = arith.constant 0 : i32
      %dma_start3A_907 = arith.constant 0 : i32
      %dma_start3A_908 = tpu.memref_slice %arg6[%add3A_898, %dma_start3A_906, %dma_start3A_907] : memref<16384x50x32xf32, #tpu.memory_space<hbm>> -> memref<1x50x32xf32, #tpu.memory_space<hbm>>
      %dma_start3A_909 = tpu.memref_squeeze %dma_start3A_908 : memref<1x50x32xf32, #tpu.memory_space<hbm>> -> memref<50x32xf32, #tpu.memory_space<hbm>>
      %dma_start3A_910 = arith.constant 350 : i32
      %dma_start3A_911 = arith.constant 0 : i32
      %dma_start3A_912 = tpu.memref_slice %arg14[%dma_start3A_910, %dma_start3A_911] : memref<400x128xf32, #tpu.memory_space<vmem>> -> memref<50x32xf32, #tpu.memory_space<vmem>>
      tpu.enqueue_dma source(%dma_start3A_912 : memref<50x32xf32, #tpu.memory_space<vmem>>) target(%dma_start3A_909 : memref<50x32xf32, #tpu.memory_space<hbm>>) target_semaphore(%arg20 : memref<!tpu.dma_semaphore, #tpu.memory_space<semaphore_mem>>)
      %mul3A_913 = arith.constant 8 : i32
      %mul3A_914 = arith.muli %mul3A_21, %mul3A_913 : i32
      %add3A_915 = arith.addi %mul3A_2, %mul3A_914 : i32
      %add3A_916 = arith.constant 0 : i32
      %add3A_917 = arith.addi %add3A_915, %add3A_916 : i32
      %dma_wait3A_918 = arith.constant 0 : i32
      %dma_wait3A_919 = arith.constant 0 : i32
      %dma_wait3A_920 = tpu.memref_slice %arg13[%dma_wait3A_918, %dma_wait3A_919] : memref<400x128xf32, #tpu.memory_space<vmem>> -> memref<50x32xf32, #tpu.memory_space<vmem>>
      %dma_wait3A_921 = arith.constant 0 : i32
      %dma_wait3A_922 = arith.constant 0 : i32
      %dma_wait3A_923 = tpu.memref_slice %arg6[%add3A_917, %dma_wait3A_921, %dma_wait3A_922] : memref<16384x50x32xf32, #tpu.memory_space<hbm>> -> memref<1x50x32xf32, #tpu.memory_space<hbm>>
      %dma_wait3A_924 = tpu.memref_squeeze %dma_wait3A_923 : memref<1x50x32xf32, #tpu.memory_space<hbm>> -> memref<50x32xf32, #tpu.memory_space<hbm>>
      %dma_wait3A_925 = arith.constant 0 : i32
      %dma_wait3A_926 = arith.constant 0 : i32
      %dma_wait3A_927 = tpu.memref_slice %arg6[%add3A_917, %dma_wait3A_925, %dma_wait3A_926] : memref<16384x50x32xf32, #tpu.memory_space<hbm>> -> memref<1x50x32xf32, #tpu.memory_space<hbm>>
      %dma_wait3A_928 = tpu.memref_squeeze %dma_wait3A_927 : memref<1x50x32xf32, #tpu.memory_space<hbm>> -> memref<50x32xf32, #tpu.memory_space<hbm>>
      %dma_wait3A_929 = arith.constant 0 : i32
      %dma_wait3A_930 = arith.constant 0 : i32
      %dma_wait3A_931 = tpu.memref_slice %arg13[%dma_wait3A_929, %dma_wait3A_930] : memref<400x128xf32, #tpu.memory_space<vmem>> -> memref<50x32xf32, #tpu.memory_space<vmem>>
      tpu.wait_dma2 semaphore(%arg19 : memref<!tpu.dma_semaphore, #tpu.memory_space<semaphore_mem>>) src(%dma_wait3A_931 : memref<50x32xf32, #tpu.memory_space<vmem>>) dst(%dma_wait3A_928 : memref<50x32xf32, #tpu.memory_space<hbm>>)
      %mul3A_932 = arith.constant 8 : i32
      %mul3A_933 = arith.muli %mul3A_21, %mul3A_932 : i32
      %add3A_934 = arith.addi %mul3A_2, %mul3A_933 : i32
      %add3A_935 = arith.constant 1 : i32
      %add3A_936 = arith.addi %add3A_934, %add3A_935 : i32
      %dma_wait3A_937 = arith.constant 50 : i32
      %dma_wait3A_938 = arith.constant 0 : i32
      %dma_wait3A_939 = tpu.memref_slice %arg13[%dma_wait3A_937, %dma_wait3A_938] : memref<400x128xf32, #tpu.memory_space<vmem>> -> memref<50x32xf32, #tpu.memory_space<vmem>>
      %dma_wait3A_940 = arith.constant 0 : i32
      %dma_wait3A_941 = arith.constant 0 : i32
      %dma_wait3A_942 = tpu.memref_slice %arg6[%add3A_936, %dma_wait3A_940, %dma_wait3A_941] : memref<16384x50x32xf32, #tpu.memory_space<hbm>> -> memref<1x50x32xf32, #tpu.memory_space<hbm>>
      %dma_wait3A_943 = tpu.memref_squeeze %dma_wait3A_942 : memref<1x50x32xf32, #tpu.memory_space<hbm>> -> memref<50x32xf32, #tpu.memory_space<hbm>>
      %dma_wait3A_944 = arith.constant 0 : i32
      %dma_wait3A_945 = arith.constant 0 : i32
      %dma_wait3A_946 = tpu.memref_slice %arg6[%add3A_936, %dma_wait3A_944, %dma_wait3A_945] : memref<16384x50x32xf32, #tpu.memory_space<hbm>> -> memref<1x50x32xf32, #tpu.memory_space<hbm>>
      %dma_wait3A_947 = tpu.memref_squeeze %dma_wait3A_946 : memref<1x50x32xf32, #tpu.memory_space<hbm>> -> memref<50x32xf32, #tpu.memory_space<hbm>>
      %dma_wait3A_948 = arith.constant 50 : i32
      %dma_wait3A_949 = arith.constant 0 : i32
      %dma_wait3A_950 = tpu.memref_slice %arg13[%dma_wait3A_948, %dma_wait3A_949] : memref<400x128xf32, #tpu.memory_space<vmem>> -> memref<50x32xf32, #tpu.memory_space<vmem>>
      tpu.wait_dma2 semaphore(%arg19 : memref<!tpu.dma_semaphore, #tpu.memory_space<semaphore_mem>>) src(%dma_wait3A_950 : memref<50x32xf32, #tpu.memory_space<vmem>>) dst(%dma_wait3A_947 : memref<50x32xf32, #tpu.memory_space<hbm>>)
      %mul3A_951 = arith.constant 8 : i32
      %mul3A_952 = arith.muli %mul3A_21, %mul3A_951 : i32
      %add3A_953 = arith.addi %mul3A_2, %mul3A_952 : i32
      %add3A_954 = arith.constant 2 : i32
      %add3A_955 = arith.addi %add3A_953, %add3A_954 : i32
      %dma_wait3A_956 = arith.constant 100 : i32
      %dma_wait3A_957 = arith.constant 0 : i32
      %dma_wait3A_958 = tpu.memref_slice %arg13[%dma_wait3A_956, %dma_wait3A_957] : memref<400x128xf32, #tpu.memory_space<vmem>> -> memref<50x32xf32, #tpu.memory_space<vmem>>
      %dma_wait3A_959 = arith.constant 0 : i32
      %dma_wait3A_960 = arith.constant 0 : i32
      %dma_wait3A_961 = tpu.memref_slice %arg6[%add3A_955, %dma_wait3A_959, %dma_wait3A_960] : memref<16384x50x32xf32, #tpu.memory_space<hbm>> -> memref<1x50x32xf32, #tpu.memory_space<hbm>>
      %dma_wait3A_962 = tpu.memref_squeeze %dma_wait3A_961 : memref<1x50x32xf32, #tpu.memory_space<hbm>> -> memref<50x32xf32, #tpu.memory_space<hbm>>
      %dma_wait3A_963 = arith.constant 0 : i32
      %dma_wait3A_964 = arith.constant 0 : i32
      %dma_wait3A_965 = tpu.memref_slice %arg6[%add3A_955, %dma_wait3A_963, %dma_wait3A_964] : memref<16384x50x32xf32, #tpu.memory_space<hbm>> -> memref<1x50x32xf32, #tpu.memory_space<hbm>>
      %dma_wait3A_966 = tpu.memref_squeeze %dma_wait3A_965 : memref<1x50x32xf32, #tpu.memory_space<hbm>> -> memref<50x32xf32, #tpu.memory_space<hbm>>
      %dma_wait3A_967 = arith.constant 100 : i32
      %dma_wait3A_968 = arith.constant 0 : i32
      %dma_wait3A_969 = tpu.memref_slice %arg13[%dma_wait3A_967, %dma_wait3A_968] : memref<400x128xf32, #tpu.memory_space<vmem>> -> memref<50x32xf32, #tpu.memory_space<vmem>>
      tpu.wait_dma2 semaphore(%arg19 : memref<!tpu.dma_semaphore, #tpu.memory_space<semaphore_mem>>) src(%dma_wait3A_969 : memref<50x32xf32, #tpu.memory_space<vmem>>) dst(%dma_wait3A_966 : memref<50x32xf32, #tpu.memory_space<hbm>>)
      %mul3A_970 = arith.constant 8 : i32
      %mul3A_971 = arith.muli %mul3A_21, %mul3A_970 : i32
      %add3A_972 = arith.addi %mul3A_2, %mul3A_971 : i32
      %add3A_973 = arith.constant 3 : i32
      %add3A_974 = arith.addi %add3A_972, %add3A_973 : i32
      %dma_wait3A_975 = arith.constant 150 : i32
      %dma_wait3A_976 = arith.constant 0 : i32
      %dma_wait3A_977 = tpu.memref_slice %arg13[%dma_wait3A_975, %dma_wait3A_976] : memref<400x128xf32, #tpu.memory_space<vmem>> -> memref<50x32xf32, #tpu.memory_space<vmem>>
      %dma_wait3A_978 = arith.constant 0 : i32
      %dma_wait3A_979 = arith.constant 0 : i32
      %dma_wait3A_980 = tpu.memref_slice %arg6[%add3A_974, %dma_wait3A_978, %dma_wait3A_979] : memref<16384x50x32xf32, #tpu.memory_space<hbm>> -> memref<1x50x32xf32, #tpu.memory_space<hbm>>
      %dma_wait3A_981 = tpu.memref_squeeze %dma_wait3A_980 : memref<1x50x32xf32, #tpu.memory_space<hbm>> -> memref<50x32xf32, #tpu.memory_space<hbm>>
      %dma_wait3A_982 = arith.constant 0 : i32
      %dma_wait3A_983 = arith.constant 0 : i32
      %dma_wait3A_984 = tpu.memref_slice %arg6[%add3A_974, %dma_wait3A_982, %dma_wait3A_983] : memref<16384x50x32xf32, #tpu.memory_space<hbm>> -> memref<1x50x32xf32, #tpu.memory_space<hbm>>
      %dma_wait3A_985 = tpu.memref_squeeze %dma_wait3A_984 : memref<1x50x32xf32, #tpu.memory_space<hbm>> -> memref<50x32xf32, #tpu.memory_space<hbm>>
      %dma_wait3A_986 = arith.constant 150 : i32
      %dma_wait3A_987 = arith.constant 0 : i32
      %dma_wait3A_988 = tpu.memref_slice %arg13[%dma_wait3A_986, %dma_wait3A_987] : memref<400x128xf32, #tpu.memory_space<vmem>> -> memref<50x32xf32, #tpu.memory_space<vmem>>
      tpu.wait_dma2 semaphore(%arg19 : memref<!tpu.dma_semaphore, #tpu.memory_space<semaphore_mem>>) src(%dma_wait3A_988 : memref<50x32xf32, #tpu.memory_space<vmem>>) dst(%dma_wait3A_985 : memref<50x32xf32, #tpu.memory_space<hbm>>)
      %mul3A_989 = arith.constant 8 : i32
      %mul3A_990 = arith.muli %mul3A_21, %mul3A_989 : i32
      %add3A_991 = arith.addi %mul3A_2, %mul3A_990 : i32
      %add3A_992 = arith.constant 4 : i32
      %add3A_993 = arith.addi %add3A_991, %add3A_992 : i32
      %dma_wait3A_994 = arith.constant 200 : i32
      %dma_wait3A_995 = arith.constant 0 : i32
      %dma_wait3A_996 = tpu.memref_slice %arg13[%dma_wait3A_994, %dma_wait3A_995] : memref<400x128xf32, #tpu.memory_space<vmem>> -> memref<50x32xf32, #tpu.memory_space<vmem>>
      %dma_wait3A_997 = arith.constant 0 : i32
      %dma_wait3A_998 = arith.constant 0 : i32
      %dma_wait3A_999 = tpu.memref_slice %arg6[%add3A_993, %dma_wait3A_997, %dma_wait3A_998] : memref<16384x50x32xf32, #tpu.memory_space<hbm>> -> memref<1x50x32xf32, #tpu.memory_space<hbm>>
      %dma_wait3A_1000 = tpu.memref_squeeze %dma_wait3A_999 : memref<1x50x32xf32, #tpu.memory_space<hbm>> -> memref<50x32xf32, #tpu.memory_space<hbm>>
      %dma_wait3A_1001 = arith.constant 0 : i32
      %dma_wait3A_1002 = arith.constant 0 : i32
      %dma_wait3A_1003 = tpu.memref_slice %arg6[%add3A_993, %dma_wait3A_1001, %dma_wait3A_1002] : memref<16384x50x32xf32, #tpu.memory_space<hbm>> -> memref<1x50x32xf32, #tpu.memory_space<hbm>>
      %dma_wait3A_1004 = tpu.memref_squeeze %dma_wait3A_1003 : memref<1x50x32xf32, #tpu.memory_space<hbm>> -> memref<50x32xf32, #tpu.memory_space<hbm>>
      %dma_wait3A_1005 = arith.constant 200 : i32
      %dma_wait3A_1006 = arith.constant 0 : i32
      %dma_wait3A_1007 = tpu.memref_slice %arg13[%dma_wait3A_1005, %dma_wait3A_1006] : memref<400x128xf32, #tpu.memory_space<vmem>> -> memref<50x32xf32, #tpu.memory_space<vmem>>
      tpu.wait_dma2 semaphore(%arg19 : memref<!tpu.dma_semaphore, #tpu.memory_space<semaphore_mem>>) src(%dma_wait3A_1007 : memref<50x32xf32, #tpu.memory_space<vmem>>) dst(%dma_wait3A_1004 : memref<50x32xf32, #tpu.memory_space<hbm>>)
      %mul3A_1008 = arith.constant 8 : i32
      %mul3A_1009 = arith.muli %mul3A_21, %mul3A_1008 : i32
      %add3A_1010 = arith.addi %mul3A_2, %mul3A_1009 : i32
      %add3A_1011 = arith.constant 5 : i32
      %add3A_1012 = arith.addi %add3A_1010, %add3A_1011 : i32
      %dma_wait3A_1013 = arith.constant 250 : i32
      %dma_wait3A_1014 = arith.constant 0 : i32
      %dma_wait3A_1015 = tpu.memref_slice %arg13[%dma_wait3A_1013, %dma_wait3A_1014] : memref<400x128xf32, #tpu.memory_space<vmem>> -> memref<50x32xf32, #tpu.memory_space<vmem>>
      %dma_wait3A_1016 = arith.constant 0 : i32
      %dma_wait3A_1017 = arith.constant 0 : i32
      %dma_wait3A_1018 = tpu.memref_slice %arg6[%add3A_1012, %dma_wait3A_1016, %dma_wait3A_1017] : memref<16384x50x32xf32, #tpu.memory_space<hbm>> -> memref<1x50x32xf32, #tpu.memory_space<hbm>>
      %dma_wait3A_1019 = tpu.memref_squeeze %dma_wait3A_1018 : memref<1x50x32xf32, #tpu.memory_space<hbm>> -> memref<50x32xf32, #tpu.memory_space<hbm>>
      %dma_wait3A_1020 = arith.constant 0 : i32
      %dma_wait3A_1021 = arith.constant 0 : i32
      %dma_wait3A_1022 = tpu.memref_slice %arg6[%add3A_1012, %dma_wait3A_1020, %dma_wait3A_1021] : memref<16384x50x32xf32, #tpu.memory_space<hbm>> -> memref<1x50x32xf32, #tpu.memory_space<hbm>>
      %dma_wait3A_1023 = tpu.memref_squeeze %dma_wait3A_1022 : memref<1x50x32xf32, #tpu.memory_space<hbm>> -> memref<50x32xf32, #tpu.memory_space<hbm>>
      %dma_wait3A_1024 = arith.constant 250 : i32
      %dma_wait3A_1025 = arith.constant 0 : i32
      %dma_wait3A_1026 = tpu.memref_slice %arg13[%dma_wait3A_1024, %dma_wait3A_1025] : memref<400x128xf32, #tpu.memory_space<vmem>> -> memref<50x32xf32, #tpu.memory_space<vmem>>
      tpu.wait_dma2 semaphore(%arg19 : memref<!tpu.dma_semaphore, #tpu.memory_space<semaphore_mem>>) src(%dma_wait3A_1026 : memref<50x32xf32, #tpu.memory_space<vmem>>) dst(%dma_wait3A_1023 : memref<50x32xf32, #tpu.memory_space<hbm>>)
      %mul3A_1027 = arith.constant 8 : i32
      %mul3A_1028 = arith.muli %mul3A_21, %mul3A_1027 : i32
      %add3A_1029 = arith.addi %mul3A_2, %mul3A_1028 : i32
      %add3A_1030 = arith.constant 6 : i32
      %add3A_1031 = arith.addi %add3A_1029, %add3A_1030 : i32
      %dma_wait3A_1032 = arith.constant 300 : i32
      %dma_wait3A_1033 = arith.constant 0 : i32
      %dma_wait3A_1034 = tpu.memref_slice %arg13[%dma_wait3A_1032, %dma_wait3A_1033] : memref<400x128xf32, #tpu.memory_space<vmem>> -> memref<50x32xf32, #tpu.memory_space<vmem>>
      %dma_wait3A_1035 = arith.constant 0 : i32
      %dma_wait3A_1036 = arith.constant 0 : i32
      %dma_wait3A_1037 = tpu.memref_slice %arg6[%add3A_1031, %dma_wait3A_1035, %dma_wait3A_1036] : memref<16384x50x32xf32, #tpu.memory_space<hbm>> -> memref<1x50x32xf32, #tpu.memory_space<hbm>>
      %dma_wait3A_1038 = tpu.memref_squeeze %dma_wait3A_1037 : memref<1x50x32xf32, #tpu.memory_space<hbm>> -> memref<50x32xf32, #tpu.memory_space<hbm>>
      %dma_wait3A_1039 = arith.constant 0 : i32
      %dma_wait3A_1040 = arith.constant 0 : i32
      %dma_wait3A_1041 = tpu.memref_slice %arg6[%add3A_1031, %dma_wait3A_1039, %dma_wait3A_1040] : memref<16384x50x32xf32, #tpu.memory_space<hbm>> -> memref<1x50x32xf32, #tpu.memory_space<hbm>>
      %dma_wait3A_1042 = tpu.memref_squeeze %dma_wait3A_1041 : memref<1x50x32xf32, #tpu.memory_space<hbm>> -> memref<50x32xf32, #tpu.memory_space<hbm>>
      %dma_wait3A_1043 = arith.constant 300 : i32
      %dma_wait3A_1044 = arith.constant 0 : i32
      %dma_wait3A_1045 = tpu.memref_slice %arg13[%dma_wait3A_1043, %dma_wait3A_1044] : memref<400x128xf32, #tpu.memory_space<vmem>> -> memref<50x32xf32, #tpu.memory_space<vmem>>
      tpu.wait_dma2 semaphore(%arg19 : memref<!tpu.dma_semaphore, #tpu.memory_space<semaphore_mem>>) src(%dma_wait3A_1045 : memref<50x32xf32, #tpu.memory_space<vmem>>) dst(%dma_wait3A_1042 : memref<50x32xf32, #tpu.memory_space<hbm>>)
      %mul3A_1046 = arith.constant 8 : i32
      %mul3A_1047 = arith.muli %mul3A_21, %mul3A_1046 : i32
      %add3A_1048 = arith.addi %mul3A_2, %mul3A_1047 : i32
      %add3A_1049 = arith.constant 7 : i32
      %add3A_1050 = arith.addi %add3A_1048, %add3A_1049 : i32
      %dma_wait3A_1051 = arith.constant 350 : i32
      %dma_wait3A_1052 = arith.constant 0 : i32
      %dma_wait3A_1053 = tpu.memref_slice %arg13[%dma_wait3A_1051, %dma_wait3A_1052] : memref<400x128xf32, #tpu.memory_space<vmem>> -> memref<50x32xf32, #tpu.memory_space<vmem>>
      %dma_wait3A_1054 = arith.constant 0 : i32
      %dma_wait3A_1055 = arith.constant 0 : i32
      %dma_wait3A_1056 = tpu.memref_slice %arg6[%add3A_1050, %dma_wait3A_1054, %dma_wait3A_1055] : memref<16384x50x32xf32, #tpu.memory_space<hbm>> -> memref<1x50x32xf32, #tpu.memory_space<hbm>>
      %dma_wait3A_1057 = tpu.memref_squeeze %dma_wait3A_1056 : memref<1x50x32xf32, #tpu.memory_space<hbm>> -> memref<50x32xf32, #tpu.memory_space<hbm>>
      %dma_wait3A_1058 = arith.constant 0 : i32
      %dma_wait3A_1059 = arith.constant 0 : i32
      %dma_wait3A_1060 = tpu.memref_slice %arg6[%add3A_1050, %dma_wait3A_1058, %dma_wait3A_1059] : memref<16384x50x32xf32, #tpu.memory_space<hbm>> -> memref<1x50x32xf32, #tpu.memory_space<hbm>>
      %dma_wait3A_1061 = tpu.memref_squeeze %dma_wait3A_1060 : memref<1x50x32xf32, #tpu.memory_space<hbm>> -> memref<50x32xf32, #tpu.memory_space<hbm>>
      %dma_wait3A_1062 = arith.constant 350 : i32
      %dma_wait3A_1063 = arith.constant 0 : i32
      %dma_wait3A_1064 = tpu.memref_slice %arg13[%dma_wait3A_1062, %dma_wait3A_1063] : memref<400x128xf32, #tpu.memory_space<vmem>> -> memref<50x32xf32, #tpu.memory_space<vmem>>
      tpu.wait_dma2 semaphore(%arg19 : memref<!tpu.dma_semaphore, #tpu.memory_space<semaphore_mem>>) src(%dma_wait3A_1064 : memref<50x32xf32, #tpu.memory_space<vmem>>) dst(%dma_wait3A_1061 : memref<50x32xf32, #tpu.memory_space<hbm>>)
      %add3A_1065 = arith.constant 1 : i32
      %add3A_1066 = arith.addi %mul3A_21, %add3A_1065 : i32
      %mul3A_1067 = arith.constant 8 : i32
      %mul3A_1068 = arith.muli %add3A_1066, %mul3A_1067 : i32
      %add3A_1069 = arith.addi %mul3A_2, %mul3A_1068 : i32
      %add3A_1070 = arith.constant 0 : i32
      %add3A_1071 = arith.addi %add3A_1069, %add3A_1070 : i32
      %dma_wait3A_1072 = arith.constant 0 : i32
      %dma_wait3A_1073 = arith.constant 0 : i32
      %dma_wait3A_1074 = tpu.memref_slice %arg14[%dma_wait3A_1072, %dma_wait3A_1073] : memref<400x128xf32, #tpu.memory_space<vmem>> -> memref<50x32xf32, #tpu.memory_space<vmem>>
      %dma_wait3A_1075 = arith.constant 0 : i32
      %dma_wait3A_1076 = arith.constant 0 : i32
      %dma_wait3A_1077 = tpu.memref_slice %arg6[%add3A_1071, %dma_wait3A_1075, %dma_wait3A_1076] : memref<16384x50x32xf32, #tpu.memory_space<hbm>> -> memref<1x50x32xf32, #tpu.memory_space<hbm>>
      %dma_wait3A_1078 = tpu.memref_squeeze %dma_wait3A_1077 : memref<1x50x32xf32, #tpu.memory_space<hbm>> -> memref<50x32xf32, #tpu.memory_space<hbm>>
      %dma_wait3A_1079 = arith.constant 0 : i32
      %dma_wait3A_1080 = arith.constant 0 : i32
      %dma_wait3A_1081 = tpu.memref_slice %arg6[%add3A_1071, %dma_wait3A_1079, %dma_wait3A_1080] : memref<16384x50x32xf32, #tpu.memory_space<hbm>> -> memref<1x50x32xf32, #tpu.memory_space<hbm>>
      %dma_wait3A_1082 = tpu.memref_squeeze %dma_wait3A_1081 : memref<1x50x32xf32, #tpu.memory_space<hbm>> -> memref<50x32xf32, #tpu.memory_space<hbm>>
      %dma_wait3A_1083 = arith.constant 0 : i32
      %dma_wait3A_1084 = arith.constant 0 : i32
      %dma_wait3A_1085 = tpu.memref_slice %arg14[%dma_wait3A_1083, %dma_wait3A_1084] : memref<400x128xf32, #tpu.memory_space<vmem>> -> memref<50x32xf32, #tpu.memory_space<vmem>>
      tpu.wait_dma2 semaphore(%arg20 : memref<!tpu.dma_semaphore, #tpu.memory_space<semaphore_mem>>) src(%dma_wait3A_1085 : memref<50x32xf32, #tpu.memory_space<vmem>>) dst(%dma_wait3A_1082 : memref<50x32xf32, #tpu.memory_space<hbm>>)
      %mul3A_1086 = arith.constant 8 : i32
      %mul3A_1087 = arith.muli %add3A_1066, %mul3A_1086 : i32
      %add3A_1088 = arith.addi %mul3A_2, %mul3A_1087 : i32
      %add3A_1089 = arith.constant 1 : i32
      %add3A_1090 = arith.addi %add3A_1088, %add3A_1089 : i32
      %dma_wait3A_1091 = arith.constant 50 : i32
      %dma_wait3A_1092 = arith.constant 0 : i32
      %dma_wait3A_1093 = tpu.memref_slice %arg14[%dma_wait3A_1091, %dma_wait3A_1092] : memref<400x128xf32, #tpu.memory_space<vmem>> -> memref<50x32xf32, #tpu.memory_space<vmem>>
      %dma_wait3A_1094 = arith.constant 0 : i32
      %dma_wait3A_1095 = arith.constant 0 : i32
      %dma_wait3A_1096 = tpu.memref_slice %arg6[%add3A_1090, %dma_wait3A_1094, %dma_wait3A_1095] : memref<16384x50x32xf32, #tpu.memory_space<hbm>> -> memref<1x50x32xf32, #tpu.memory_space<hbm>>
      %dma_wait3A_1097 = tpu.memref_squeeze %dma_wait3A_1096 : memref<1x50x32xf32, #tpu.memory_space<hbm>> -> memref<50x32xf32, #tpu.memory_space<hbm>>
      %dma_wait3A_1098 = arith.constant 0 : i32
      %dma_wait3A_1099 = arith.constant 0 : i32
      %dma_wait3A_1100 = tpu.memref_slice %arg6[%add3A_1090, %dma_wait3A_1098, %dma_wait3A_1099] : memref<16384x50x32xf32, #tpu.memory_space<hbm>> -> memref<1x50x32xf32, #tpu.memory_space<hbm>>
      %dma_wait3A_1101 = tpu.memref_squeeze %dma_wait3A_1100 : memref<1x50x32xf32, #tpu.memory_space<hbm>> -> memref<50x32xf32, #tpu.memory_space<hbm>>
      %dma_wait3A_1102 = arith.constant 50 : i32
      %dma_wait3A_1103 = arith.constant 0 : i32
      %dma_wait3A_1104 = tpu.memref_slice %arg14[%dma_wait3A_1102, %dma_wait3A_1103] : memref<400x128xf32, #tpu.memory_space<vmem>> -> memref<50x32xf32, #tpu.memory_space<vmem>>
      tpu.wait_dma2 semaphore(%arg20 : memref<!tpu.dma_semaphore, #tpu.memory_space<semaphore_mem>>) src(%dma_wait3A_1104 : memref<50x32xf32, #tpu.memory_space<vmem>>) dst(%dma_wait3A_1101 : memref<50x32xf32, #tpu.memory_space<hbm>>)
      %mul3A_1105 = arith.constant 8 : i32
      %mul3A_1106 = arith.muli %add3A_1066, %mul3A_1105 : i32
      %add3A_1107 = arith.addi %mul3A_2, %mul3A_1106 : i32
      %add3A_1108 = arith.constant 2 : i32
      %add3A_1109 = arith.addi %add3A_1107, %add3A_1108 : i32
      %dma_wait3A_1110 = arith.constant 100 : i32
      %dma_wait3A_1111 = arith.constant 0 : i32
      %dma_wait3A_1112 = tpu.memref_slice %arg14[%dma_wait3A_1110, %dma_wait3A_1111] : memref<400x128xf32, #tpu.memory_space<vmem>> -> memref<50x32xf32, #tpu.memory_space<vmem>>
      %dma_wait3A_1113 = arith.constant 0 : i32
      %dma_wait3A_1114 = arith.constant 0 : i32
      %dma_wait3A_1115 = tpu.memref_slice %arg6[%add3A_1109, %dma_wait3A_1113, %dma_wait3A_1114] : memref<16384x50x32xf32, #tpu.memory_space<hbm>> -> memref<1x50x32xf32, #tpu.memory_space<hbm>>
      %dma_wait3A_1116 = tpu.memref_squeeze %dma_wait3A_1115 : memref<1x50x32xf32, #tpu.memory_space<hbm>> -> memref<50x32xf32, #tpu.memory_space<hbm>>
      %dma_wait3A_1117 = arith.constant 0 : i32
      %dma_wait3A_1118 = arith.constant 0 : i32
      %dma_wait3A_1119 = tpu.memref_slice %arg6[%add3A_1109, %dma_wait3A_1117, %dma_wait3A_1118] : memref<16384x50x32xf32, #tpu.memory_space<hbm>> -> memref<1x50x32xf32, #tpu.memory_space<hbm>>
      %dma_wait3A_1120 = tpu.memref_squeeze %dma_wait3A_1119 : memref<1x50x32xf32, #tpu.memory_space<hbm>> -> memref<50x32xf32, #tpu.memory_space<hbm>>
      %dma_wait3A_1121 = arith.constant 100 : i32
      %dma_wait3A_1122 = arith.constant 0 : i32
      %dma_wait3A_1123 = tpu.memref_slice %arg14[%dma_wait3A_1121, %dma_wait3A_1122] : memref<400x128xf32, #tpu.memory_space<vmem>> -> memref<50x32xf32, #tpu.memory_space<vmem>>
      tpu.wait_dma2 semaphore(%arg20 : memref<!tpu.dma_semaphore, #tpu.memory_space<semaphore_mem>>) src(%dma_wait3A_1123 : memref<50x32xf32, #tpu.memory_space<vmem>>) dst(%dma_wait3A_1120 : memref<50x32xf32, #tpu.memory_space<hbm>>)
      %mul3A_1124 = arith.constant 8 : i32
      %mul3A_1125 = arith.muli %add3A_1066, %mul3A_1124 : i32
      %add3A_1126 = arith.addi %mul3A_2, %mul3A_1125 : i32
      %add3A_1127 = arith.constant 3 : i32
      %add3A_1128 = arith.addi %add3A_1126, %add3A_1127 : i32
      %dma_wait3A_1129 = arith.constant 150 : i32
      %dma_wait3A_1130 = arith.constant 0 : i32
      %dma_wait3A_1131 = tpu.memref_slice %arg14[%dma_wait3A_1129, %dma_wait3A_1130] : memref<400x128xf32, #tpu.memory_space<vmem>> -> memref<50x32xf32, #tpu.memory_space<vmem>>
      %dma_wait3A_1132 = arith.constant 0 : i32
      %dma_wait3A_1133 = arith.constant 0 : i32
      %dma_wait3A_1134 = tpu.memref_slice %arg6[%add3A_1128, %dma_wait3A_1132, %dma_wait3A_1133] : memref<16384x50x32xf32, #tpu.memory_space<hbm>> -> memref<1x50x32xf32, #tpu.memory_space<hbm>>
      %dma_wait3A_1135 = tpu.memref_squeeze %dma_wait3A_1134 : memref<1x50x32xf32, #tpu.memory_space<hbm>> -> memref<50x32xf32, #tpu.memory_space<hbm>>
      %dma_wait3A_1136 = arith.constant 0 : i32
      %dma_wait3A_1137 = arith.constant 0 : i32
      %dma_wait3A_1138 = tpu.memref_slice %arg6[%add3A_1128, %dma_wait3A_1136, %dma_wait3A_1137] : memref<16384x50x32xf32, #tpu.memory_space<hbm>> -> memref<1x50x32xf32, #tpu.memory_space<hbm>>
      %dma_wait3A_1139 = tpu.memref_squeeze %dma_wait3A_1138 : memref<1x50x32xf32, #tpu.memory_space<hbm>> -> memref<50x32xf32, #tpu.memory_space<hbm>>
      %dma_wait3A_1140 = arith.constant 150 : i32
      %dma_wait3A_1141 = arith.constant 0 : i32
      %dma_wait3A_1142 = tpu.memref_slice %arg14[%dma_wait3A_1140, %dma_wait3A_1141] : memref<400x128xf32, #tpu.memory_space<vmem>> -> memref<50x32xf32, #tpu.memory_space<vmem>>
      tpu.wait_dma2 semaphore(%arg20 : memref<!tpu.dma_semaphore, #tpu.memory_space<semaphore_mem>>) src(%dma_wait3A_1142 : memref<50x32xf32, #tpu.memory_space<vmem>>) dst(%dma_wait3A_1139 : memref<50x32xf32, #tpu.memory_space<hbm>>)
      %mul3A_1143 = arith.constant 8 : i32
      %mul3A_1144 = arith.muli %add3A_1066, %mul3A_1143 : i32
      %add3A_1145 = arith.addi %mul3A_2, %mul3A_1144 : i32
      %add3A_1146 = arith.constant 4 : i32
      %add3A_1147 = arith.addi %add3A_1145, %add3A_1146 : i32
      %dma_wait3A_1148 = arith.constant 200 : i32
      %dma_wait3A_1149 = arith.constant 0 : i32
      %dma_wait3A_1150 = tpu.memref_slice %arg14[%dma_wait3A_1148, %dma_wait3A_1149] : memref<400x128xf32, #tpu.memory_space<vmem>> -> memref<50x32xf32, #tpu.memory_space<vmem>>
      %dma_wait3A_1151 = arith.constant 0 : i32
      %dma_wait3A_1152 = arith.constant 0 : i32
      %dma_wait3A_1153 = tpu.memref_slice %arg6[%add3A_1147, %dma_wait3A_1151, %dma_wait3A_1152] : memref<16384x50x32xf32, #tpu.memory_space<hbm>> -> memref<1x50x32xf32, #tpu.memory_space<hbm>>
      %dma_wait3A_1154 = tpu.memref_squeeze %dma_wait3A_1153 : memref<1x50x32xf32, #tpu.memory_space<hbm>> -> memref<50x32xf32, #tpu.memory_space<hbm>>
      %dma_wait3A_1155 = arith.constant 0 : i32
      %dma_wait3A_1156 = arith.constant 0 : i32
      %dma_wait3A_1157 = tpu.memref_slice %arg6[%add3A_1147, %dma_wait3A_1155, %dma_wait3A_1156] : memref<16384x50x32xf32, #tpu.memory_space<hbm>> -> memref<1x50x32xf32, #tpu.memory_space<hbm>>
      %dma_wait3A_1158 = tpu.memref_squeeze %dma_wait3A_1157 : memref<1x50x32xf32, #tpu.memory_space<hbm>> -> memref<50x32xf32, #tpu.memory_space<hbm>>
      %dma_wait3A_1159 = arith.constant 200 : i32
      %dma_wait3A_1160 = arith.constant 0 : i32
      %dma_wait3A_1161 = tpu.memref_slice %arg14[%dma_wait3A_1159, %dma_wait3A_1160] : memref<400x128xf32, #tpu.memory_space<vmem>> -> memref<50x32xf32, #tpu.memory_space<vmem>>
      tpu.wait_dma2 semaphore(%arg20 : memref<!tpu.dma_semaphore, #tpu.memory_space<semaphore_mem>>) src(%dma_wait3A_1161 : memref<50x32xf32, #tpu.memory_space<vmem>>) dst(%dma_wait3A_1158 : memref<50x32xf32, #tpu.memory_space<hbm>>)
      %mul3A_1162 = arith.constant 8 : i32
      %mul3A_1163 = arith.muli %add3A_1066, %mul3A_1162 : i32
      %add3A_1164 = arith.addi %mul3A_2, %mul3A_1163 : i32
      %add3A_1165 = arith.constant 5 : i32
      %add3A_1166 = arith.addi %add3A_1164, %add3A_1165 : i32
      %dma_wait3A_1167 = arith.constant 250 : i32
      %dma_wait3A_1168 = arith.constant 0 : i32
      %dma_wait3A_1169 = tpu.memref_slice %arg14[%dma_wait3A_1167, %dma_wait3A_1168] : memref<400x128xf32, #tpu.memory_space<vmem>> -> memref<50x32xf32, #tpu.memory_space<vmem>>
      %dma_wait3A_1170 = arith.constant 0 : i32
      %dma_wait3A_1171 = arith.constant 0 : i32
      %dma_wait3A_1172 = tpu.memref_slice %arg6[%add3A_1166, %dma_wait3A_1170, %dma_wait3A_1171] : memref<16384x50x32xf32, #tpu.memory_space<hbm>> -> memref<1x50x32xf32, #tpu.memory_space<hbm>>
      %dma_wait3A_1173 = tpu.memref_squeeze %dma_wait3A_1172 : memref<1x50x32xf32, #tpu.memory_space<hbm>> -> memref<50x32xf32, #tpu.memory_space<hbm>>
      %dma_wait3A_1174 = arith.constant 0 : i32
      %dma_wait3A_1175 = arith.constant 0 : i32
      %dma_wait3A_1176 = tpu.memref_slice %arg6[%add3A_1166, %dma_wait3A_1174, %dma_wait3A_1175] : memref<16384x50x32xf32, #tpu.memory_space<hbm>> -> memref<1x50x32xf32, #tpu.memory_space<hbm>>
      %dma_wait3A_1177 = tpu.memref_squeeze %dma_wait3A_1176 : memref<1x50x32xf32, #tpu.memory_space<hbm>> -> memref<50x32xf32, #tpu.memory_space<hbm>>
      %dma_wait3A_1178 = arith.constant 250 : i32
      %dma_wait3A_1179 = arith.constant 0 : i32
      %dma_wait3A_1180 = tpu.memref_slice %arg14[%dma_wait3A_1178, %dma_wait3A_1179] : memref<400x128xf32, #tpu.memory_space<vmem>> -> memref<50x32xf32, #tpu.memory_space<vmem>>
      tpu.wait_dma2 semaphore(%arg20 : memref<!tpu.dma_semaphore, #tpu.memory_space<semaphore_mem>>) src(%dma_wait3A_1180 : memref<50x32xf32, #tpu.memory_space<vmem>>) dst(%dma_wait3A_1177 : memref<50x32xf32, #tpu.memory_space<hbm>>)
      %mul3A_1181 = arith.constant 8 : i32
      %mul3A_1182 = arith.muli %add3A_1066, %mul3A_1181 : i32
      %add3A_1183 = arith.addi %mul3A_2, %mul3A_1182 : i32
      %add3A_1184 = arith.constant 6 : i32
      %add3A_1185 = arith.addi %add3A_1183, %add3A_1184 : i32
      %dma_wait3A_1186 = arith.constant 300 : i32
      %dma_wait3A_1187 = arith.constant 0 : i32
      %dma_wait3A_1188 = tpu.memref_slice %arg14[%dma_wait3A_1186, %dma_wait3A_1187] : memref<400x128xf32, #tpu.memory_space<vmem>> -> memref<50x32xf32, #tpu.memory_space<vmem>>
      %dma_wait3A_1189 = arith.constant 0 : i32
      %dma_wait3A_1190 = arith.constant 0 : i32
      %dma_wait3A_1191 = tpu.memref_slice %arg6[%add3A_1185, %dma_wait3A_1189, %dma_wait3A_1190] : memref<16384x50x32xf32, #tpu.memory_space<hbm>> -> memref<1x50x32xf32, #tpu.memory_space<hbm>>
      %dma_wait3A_1192 = tpu.memref_squeeze %dma_wait3A_1191 : memref<1x50x32xf32, #tpu.memory_space<hbm>> -> memref<50x32xf32, #tpu.memory_space<hbm>>
      %dma_wait3A_1193 = arith.constant 0 : i32
      %dma_wait3A_1194 = arith.constant 0 : i32
      %dma_wait3A_1195 = tpu.memref_slice %arg6[%add3A_1185, %dma_wait3A_1193, %dma_wait3A_1194] : memref<16384x50x32xf32, #tpu.memory_space<hbm>> -> memref<1x50x32xf32, #tpu.memory_space<hbm>>
      %dma_wait3A_1196 = tpu.memref_squeeze %dma_wait3A_1195 : memref<1x50x32xf32, #tpu.memory_space<hbm>> -> memref<50x32xf32, #tpu.memory_space<hbm>>
      %dma_wait3A_1197 = arith.constant 300 : i32
      %dma_wait3A_1198 = arith.constant 0 : i32
      %dma_wait3A_1199 = tpu.memref_slice %arg14[%dma_wait3A_1197, %dma_wait3A_1198] : memref<400x128xf32, #tpu.memory_space<vmem>> -> memref<50x32xf32, #tpu.memory_space<vmem>>
      tpu.wait_dma2 semaphore(%arg20 : memref<!tpu.dma_semaphore, #tpu.memory_space<semaphore_mem>>) src(%dma_wait3A_1199 : memref<50x32xf32, #tpu.memory_space<vmem>>) dst(%dma_wait3A_1196 : memref<50x32xf32, #tpu.memory_space<hbm>>)
      %mul3A_1200 = arith.constant 8 : i32
      %mul3A_1201 = arith.muli %add3A_1066, %mul3A_1200 : i32
      %add3A_1202 = arith.addi %mul3A_2, %mul3A_1201 : i32
      %add3A_1203 = arith.constant 7 : i32
      %add3A_1204 = arith.addi %add3A_1202, %add3A_1203 : i32
      %dma_wait3A_1205 = arith.constant 350 : i32
      %dma_wait3A_1206 = arith.constant 0 : i32
      %dma_wait3A_1207 = tpu.memref_slice %arg14[%dma_wait3A_1205, %dma_wait3A_1206] : memref<400x128xf32, #tpu.memory_space<vmem>> -> memref<50x32xf32, #tpu.memory_space<vmem>>
      %dma_wait3A_1208 = arith.constant 0 : i32
      %dma_wait3A_1209 = arith.constant 0 : i32
      %dma_wait3A_1210 = tpu.memref_slice %arg6[%add3A_1204, %dma_wait3A_1208, %dma_wait3A_1209] : memref<16384x50x32xf32, #tpu.memory_space<hbm>> -> memref<1x50x32xf32, #tpu.memory_space<hbm>>
      %dma_wait3A_1211 = tpu.memref_squeeze %dma_wait3A_1210 : memref<1x50x32xf32, #tpu.memory_space<hbm>> -> memref<50x32xf32, #tpu.memory_space<hbm>>
      %dma_wait3A_1212 = arith.constant 0 : i32
      %dma_wait3A_1213 = arith.constant 0 : i32
      %dma_wait3A_1214 = tpu.memref_slice %arg6[%add3A_1204, %dma_wait3A_1212, %dma_wait3A_1213] : memref<16384x50x32xf32, #tpu.memory_space<hbm>> -> memref<1x50x32xf32, #tpu.memory_space<hbm>>
      %dma_wait3A_1215 = tpu.memref_squeeze %dma_wait3A_1214 : memref<1x50x32xf32, #tpu.memory_space<hbm>> -> memref<50x32xf32, #tpu.memory_space<hbm>>
      %dma_wait3A_1216 = arith.constant 350 : i32
      %dma_wait3A_1217 = arith.constant 0 : i32
      %dma_wait3A_1218 = tpu.memref_slice %arg14[%dma_wait3A_1216, %dma_wait3A_1217] : memref<400x128xf32, #tpu.memory_space<vmem>> -> memref<50x32xf32, #tpu.memory_space<vmem>>
      tpu.wait_dma2 semaphore(%arg20 : memref<!tpu.dma_semaphore, #tpu.memory_space<semaphore_mem>>) src(%dma_wait3A_1218 : memref<50x32xf32, #tpu.memory_space<vmem>>) dst(%dma_wait3A_1215 : memref<50x32xf32, #tpu.memory_space<hbm>>)
    }
    %scan3A_18 = arith.constant 32 : i32
    return
  }
}

module attributes {stable_mosaic.version = 14 : i64} {
  func.func @_mm_body(%arg0: i32, %arg1: memref<8000x32xf32, #tpu.memory_space<vmem>>, %arg2: memref<32x128xf32, #tpu.memory_space<vmem>>, %arg3: memref<8000x128xf32, #tpu.memory_space<vmem>>) attributes {dimension_semantics = [#tpu.dimension_semantics<arbitrary>], iteration_bounds = array<i64: 125>, scalar_prefetch = 0 : i64, scratch_operands = 0 : i64, tpu.core_type = #tpu.core_type<tc>, window_params = [{transform_indices = @transform_0, window_bounds = array<i64: 8000, 32>}, {pipeline_mode = #tpu.pipeline_mode<synchronous>, transform_indices = @transform_1, window_bounds = array<i64: 32, 128>}, {transform_indices = @transform_2, window_bounds = array<i64: 8000, 128>}]} {
    %get3A = arith.constant 0 : index
    %get3A_0 = arith.constant 0 : index
    %get3A_1 = vector.load %arg1[%get3A, %get3A_0] : memref<8000x32xf32, #tpu.memory_space<vmem>>, vector<8000x32xf32>
    %get3A_2 = arith.constant 0 : index
    %get3A_3 = arith.constant 0 : index
    %get3A_4 = vector.load %arg2[%get3A_2, %get3A_3] : memref<32x128xf32, #tpu.memory_space<vmem>>, vector<32x128xf32>
    %dot_general3A = arith.constant dense<0.000000e+00> : vector<8000x128xf32>
    %dot_general3A_5 = tpu.matmul %get3A_1, %get3A_4, %dot_general3A {dimension_numbers = #tpu.dot_dimension_numbers<[1], [0], [0], [1], [0, 0, 1, 1], [], []>, transpose_lhs_hint = false} : vector<8000x32xf32>, vector<32x128xf32>, vector<8000x128xf32> -> vector<8000x128xf32>
    %swap3A = arith.constant 0 : index
    %swap3A_6 = arith.constant 0 : index
    %swap3A_7 = vector.load %arg3[%swap3A, %swap3A_6] : memref<8000x128xf32, #tpu.memory_space<vmem>>, vector<8000x128xf32>
    tpu.vector_store %arg3[%swap3A, %swap3A_6], %dot_general3A_5 {strides = array<i32>} : memref<8000x128xf32, #tpu.memory_space<vmem>>, vector<8000x128xf32>,
    return
  }
  func.func @transform_0(%arg0: i32) -> (i32, i32) {
    %c0_i32 = arith.constant 0 : i32
    %c0_i32_0 = arith.constant 0 : i32
    return %arg0, %c0_i32 : i32, i32
  }
  func.func @transform_1(%arg0: i32) -> (i32, i32) {
    %c0_i32 = arith.constant 0 : i32
    %c0_i32_0 = arith.constant 0 : i32
    %c0_i32_1 = arith.constant 0 : i32
    return %c0_i32, %c0_i32_0 : i32, i32
  }
  func.func @transform_2(%arg0: i32) -> (i32, i32) {
    %c0_i32 = arith.constant 0 : i32
    %c0_i32_0 = arith.constant 0 : i32
    return %arg0, %c0_i32 : i32, i32
  }
}

</mosaic_0001>

<sc_bundles>
// kernel: kernel.4.cloned.1.call-start
scs
__scs_entry_jumppad:
0x0: {  	(pc) =	sbr.rel $0x88, $3  }
0x1: {  	(tag) =	ssettag $0x0;
	lr =	simm.s32 $0x1  }
0x2: {  	[smem:$0x3F9E] =	sst lr;
	_ =	strace $0xD0000000  }
0x3: {  	_ = 	snop  }
0x4: {  	_ = 	snop  }
0x5: {  	_ = 	snop  }
0x6: {  	_ = 	snop  }
0x7: {  	_ = 	snop  }
__scs_overlays_trampoline_lowered:
0x8: {  	[smem:$0x3FAD] =	sst s0  }
0x9: {  	[smem:$0x3FAE] =	sst s1  }
0xa: {  	[smem:$0x3FAF] =	sst s2  }
0xb: {  	[smem:$0x3FB0] =	sst s3  }
0xc: {  	[smem:$0x3FB1] =	sst s4  }
0xd: {  	[smem:$0x3FB2] =	sst s5  }
0xe: {  	[smem:$0x3FB3] =	sst s6  }
0xf: {  	[smem:$0x3FB4] =	sst s7  }
0x10: {  	[smem:$0x3FB5] =	sst s8  }
0x11: {  	[smem:$0x3FB6] =	sst s9;
	s0 =	simm.s32 @!p0 $0x0  }
0x12: {  	s1 =	sld [smem:$0x3F9C];
	s0 =	simm.s32 @p0 $0x1  }
0x13: {  	[smem:$0x3FB7] =	sst s0;
	s0 =	simm.s32 @!p1 $0x0  }
0x14: {  	s2 =	sld [smem:$0x3F9B];
	s0 =	simm.s32 @p1 $0x1  }
0x15: {  	[smem:$0x3FB8] =	sst s0;
	s0 =	simm.s32 @!p2 $0x0  }
0x16: {  	s3 =	sld [smem:$0x3FDB];
	s0 =	simm.s32 @p2 $0x1  }
0x17: {  	s4 =	simm.s32 $0x1BF5;
	[smem:$0x3FBA] =	sst s0  }
0x18: {  	s0 =	sld [smem:$0x3F9D];
	_ =	swait.ge [sflag:s4], $0x0  }
0x19: {  	s7 =	sld [smem:$0x3F9E]  }
0x1a: {  	s8 =	sadd.s32 $0xFFFFE003, lr  }
0x1b: {  	s9 =	sadd.s32 $0xFFFFFEF7, lr;
	s5 =	simm.s32 $0xFFFFFFFF;
	p2 =	slt.u32 s8, $0xFFFFF086  }
0x1c: {  	p1 =	slt.u32 s9, $0xF7A;
	s5 =	simm.s32 @!p2 $0x0  }
0x1d: {  	s5 =	simm.s32 @p1 $0x1;
	p0 =	seq.s32 s7, s2  }
0x1e: {  	s7 =	smul.u32 @!p0 $0xF7A, s2;
	p2 =	seq.s32 @!p0 s5, $0x0  }
0x1f: {  	s9 =	smul.u32 $0xF7A, s1;
	s8 =	simm.s32 @!p0 $0x1BF5;
	p2 =	por !p2, p0  }
0x20: {  	[sflag:s8] =	ssyncset.s32 @!p0 $0xFFFFF086;
	s6 =	sadd.s32 @!p0 s3, s7;
	s7 =	simm.s32 @!p0 $0x108  }
0x21: {  	s3 =	sadd.s32 s3, s9;
	s6 =	sadd.s32 @!p0 $0x88, s6;
	s7 =	simm.s32 @p2 $0x1082  }
0x22: {  	[simem:s7], [sflag:s8] =	dma.local @!p0 [hbm:s6], $0xF7A  }
0x23: {  	s9 =	sor.u32 $0xD0000000, s2;
	s6 =	simm.s32 $0x108;
	_ =	swait.ge @!p0 [sflag:s8], $0x0  }
0x24: {  	s3 =	sadd.s32 $0x88, s3;
	s6 =	simm.s32 @!p1 $0x1082;
	[sflag:s4] =	ssyncset.s32 $0xFFFFF086  }
0x25: {  	[simem:s6], [sflag:s4] =	dma.local [hbm:s3], $0xF7A  }
0x26: {  	[smem:$0x3F9E] =	sst s1;
	(tag) =	ssettag s2;
	_ =	strace s9  }
0x27: {  	s1 =	sld [smem:$0x3FAE]  }
0x28: {  	s2 =	sld [smem:$0x3FAF]  }
0x29: {  	s4 =	sld [smem:$0x3FB1]  }
0x2a: {  	p0 =	seq.s32 s5, $0x0;
	s5 =	sld [smem:$0x3FB2]  }
0x2b: {  	s6 =	sld [smem:$0x3FB3]  }
0x2c: {  	s7 =	sld [smem:$0x3FB4]  }
0x2d: {  	s3 =	simm.s32 $0x108;
	s8 =	sld [smem:$0x3FB5]  }
0x2e: {  	s3 =	simm.s32 @!p0 $0x1082;
	s9 =	sld [smem:$0x3FB6]  }
0x2f: {  	lr =	sadd.s32 s0, s3;
	s0 =	sld [smem:$0x3FAD]  }
0x30: {  	s3 =	sld [smem:$0x3FB0]  }
0x31: {  	[smem:$0x3FB9] =	sst s10  }
0x32: {  	s10 =	sld [smem:$0x3FB7];
	_ =	sdelay $0x3  }
0x33: {  	p0 =	seq.s32 s10, $0x1;
	s10 =	sld [smem:$0x3FB9];
	_ =	sdelay $0x3  }
0x34: {  	[smem:$0x3FB9] =	sst s10  }
0x35: {  	s10 =	sld [smem:$0x3FB8];
	_ =	sdelay $0x3  }
0x36: {  	p1 =	seq.s32 s10, $0x1;
	s10 =	sld [smem:$0x3FB9];
	_ =	sdelay $0x3  }
0x37: {  	[smem:$0x3FB9] =	sst s10  }
0x38: {  	s10 =	sld [smem:$0x3FBA]  }
0x39: {  	_ = 	snop;
	(pc) =	sbr.ind lr, $3  }
0x3a: {  	_ = 	snop  }
0x3b: {  	_ = 	snop  }
0x3c: {  	p2 =	seq.s32 s10, $0x1;
	s10 =	sld [smem:$0x3FB9]  }
0x3d: {  	_ =	shalt  }
0x3e: {  	_ =	shalt  }
0x3f: {  	_ =	shalt  }
0x40: {  	_ =	shalt  }
0x41: {  	_ =	shalt  }
0x42: {  	_ =	shalt  }
0x43: {  	_ =	shalt  }
0x44: {  	_ =	shalt  }
0x45: {  	_ =	shalt  }
0x46: {  	_ =	shalt  }
0x47: {  	_ =	shalt  }
0x48: {  	_ =	shalt  }
0x49: {  	_ =	shalt  }
0x4a: {  	_ =	shalt  }
0x4b: {  	_ =	shalt  }
0x4c: {  	_ =	shalt  }
0x4d: {  	_ =	shalt  }
0x4e: {  	_ =	shalt  }
0x4f: {  	_ =	shalt  }
0x50: {  	_ =	shalt  }
0x51: {  	_ =	shalt  }
0x52: {  	_ =	shalt  }
0x53: {  	_ =	shalt  }
0x54: {  	_ =	shalt  }
0x55: {  	_ =	shalt  }
0x56: {  	_ =	shalt  }
0x57: {  	_ =	shalt  }
0x58: {  	_ =	shalt  }
0x59: {  	_ =	shalt  }
0x5a: {  	_ =	shalt  }
0x5b: {  	_ =	shalt  }
0x5c: {  	_ =	shalt  }
0x5d: {  	_ =	shalt  }
0x5e: {  	_ =	shalt  }
0x5f: {  	_ =	shalt  }
0x60: {  	_ =	shalt  }
0x61: {  	_ =	shalt  }
0x62: {  	_ =	shalt  }
0x63: {  	_ =	shalt  }
0x64: {  	_ =	shalt  }
0x65: {  	_ =	shalt  }
0x66: {  	_ =	shalt  }
0x67: {  	_ =	shalt  }
0x68: {  	_ =	shalt  }
0x69: {  	_ =	shalt  }
0x6a: {  	_ =	shalt  }
0x6b: {  	_ =	shalt  }
0x6c: {  	_ =	shalt  }
0x6d: {  	_ =	shalt  }
0x6e: {  	_ =	shalt  }
0x6f: {  	_ =	shalt  }
0x70: {  	_ =	shalt  }
0x71: {  	_ =	shalt  }
0x72: {  	_ =	shalt  }
0x73: {  	_ =	shalt  }
0x74: {  	_ =	shalt  }
0x75: {  	_ =	shalt  }
0x76: {  	_ =	shalt  }
0x77: {  	_ =	shalt  }
0x78: {  	_ =	shalt  }
0x79: {  	_ =	shalt  }
0x7a: {  	_ =	shalt  }
0x7b: {  	_ =	shalt  }
0x7c: {  	_ =	shalt  }
0x7d: {  	_ =	shalt  }
0x7e: {  	_ =	shalt  }
0x7f: {  	_ =	shalt  }
0x80: {  	_ =	shalt  }
0x81: {  	_ =	shalt  }
0x82: {  	_ =	shalt  }
0x83: {  	_ =	shalt  }
0x84: {  	_ =	shalt  }
0x85: {  	_ =	shalt  }
0x86: {  	_ =	shalt  }
0x87: {  	_ =	shalt  }
.Lfunc_end0:
.L_simem_size_0:
called_computation.1_lowered:
.L_overlay_start_0:
0x88: {  	s2 =	sld [smem:$0x3FD9]  }
0x89: {  	s3 =	sld [smem:$0x3FFE];
	_ =	sdelay $0x1  }
0x8a: {  	s1 =	srdreg.scid  }
0x8b: {  	s0 =	sand.u32 $0x1, s1  }
0x8c: {  	s17 =	sshll.u32 s0, $0xA;
	s2 =	sadd.s32 s3, s2  }
0x8d: {  	s2 =	sadd.s32 s2, s17  }
0x8e: {  	[smem:$0x3FC5] =	sst s2  }
0x8f: {  	_ = 	snop  }
0x90: {  	s2 =	sld [smem:$0x3FD0];
	(tm) =	ssettm $0x1  }
0x91: {  	s18 =	sld [smem:$0x3FFB];
	_ =	sdelay $0x3  }
0x92: {  	_ =	strace s18  }
0x93: {  	s3 =	sld [smem:$0x3FFC];
	_ =	sdelay $0x3  }
0x94: {  	_ =	strace s3  }
0x95: {  	s3 =	sld [smem:$0x3FFD];
	_ =	sdelay $0x3  }
0x96: {  	_ =	strace s3  }
0x97: {  	_ =	strace $0x8FFFFFFF  }
0x98: {  	s19 =	sld [smem:$0x3FDB];
	_ =	sdelay $0x1  }
0x99: {  	s4 =	simm.s32 $_scs_section_size  }
0x9a: {  	s5 =	simm.s32 $_size__tile_overlayer_lowered;
	s6 =	simm.s32 $_tile_overlayer_lowered  }
0x9b: {  	s22 =	simm.s32 $0x1BFF;
	s21 =	sshll.u32 s6, $0x1;
	s3 =	sadd.s32 s4, s19  }
0x9c: {  	s7 =	simm.s32 $0x0;
	s20 =	sshll.u32 s5, $0x1;
	s5 =	sadd.s32 s21, s3  }
0x9d: {  	[timem:s7], [sflag:s22] =	dma.local [hbm:s5], s20  }
0x9e: {  	_ =	swait.ge [sflag:s22], s20  }
0x9f: {  	s4 =	ssub.s32 $0x0, s20;
	[sflag:s22] =	ssyncset.done $0x0  }
0xa0: {  	[sflag:s22] =	ssyncadd.s32 s4;
	_ =	sdelay $0x1  }
0xa1: {  	s23 =	simm.s32 $0x1B8B  }
0xa2: {  	_ =	swait.ge [sflag:s23], $0x1  }
0xa3: {  	[sflag:s23] =	ssyncset.done $0x0  }
0xa4: {  	s25 =	simm.s32 $0x1B8E;
	s24 =	sld [smem:$0x3FFE];
	[sflag:s23] =	ssyncadd.s32 $0xFFFFFFFF  }
0xa5: {  	s26 =	simm.s32 $execute0_lowered;
	[smem:$0x3FD2] =	sst s25  }
0xa6: {  	s5 =	sshll.u32 s26, $0x1;
	_ =	strace $0x80000046;
	[dreg:$0x1] =	wrdreg $0xFFFFFFFF  }
0xa7: {  	s28 =	simm.s32 $_size_execute0_lowered;
	s3 =	sadd.s32 s3, s5;
	[dreg:$0x0] =	wrdreg $0x0  }
0xa8: {  	s5 =	sshll.u32 s28, $0x1;
	[dreg:$0x2] =	wrdreg s3  }
0xa9: {  	[dreg:$0x3] =	wrdreg s5  }
0xaa: {  	[dreg:$0x4] =	wrdreg $0xC0  }
0xab: {  	_ =	task [dreg:s7], $0x5FFFF  }
0xac: {  	[dreg:$0x1] =	wrdreg $0xFFFFFFFF  }
0xad: {  	[dreg:$0x0] =	wrdreg $0x60  }
0xae: {  	[dreg:$0x2] =	wrdreg s24  }
0xaf: {  	[dreg:$0x3] =	wrdreg s2  }
0xb0: {  	[dreg:$0x4] =	wrdreg $0x9  }
0xb1: {  	_ =	task.clear_ibuf [dreg:s7], $0x5FFFF;
	_ =	strace $0x90000046  }
0xb2: {  	s29 =	simm.s32 $0x9;
	_ =	strace $0x80000048  }
0xb3: {  	_ =	swait.ge [sflag:s29], $0x1  }
0xb4: {  	[sflag:s29] =	ssyncadd.s32 $0xFFFFFFFF  }
0xb5: {  	_ =	strace $0x90000048  }
0xb6: {  	_ =	sfence  }
0xb7: {  	s30 =	sld [smem:$0x0];
	_ =	sdelay $0x2  }
0xb8: {  	s31 =	sshll.u32 s1, $0xD;
	s1 =	sshrl.u32 s1, $0x2  }
0xb9: {  	s3 =	sand.u32 $0x4000, s31;
	s1 =	sadd.s32 s1, s30  }
0xba: {  	s0 =	sor.u32 s3, s0;
	s1 =	sshll.u32 s1, $0x11  }
0xbb: {  	s0 =	sor.u32 s1, s0  }
0xbc: {  	s0 =	sadd.s32 $0x8F2B, s0  }
0xbd: {  	[sflag:s0] =	ssyncadd.remote.s32 $0x1  }
0xbe: {  	_ =	sfence.sel $0xFFFF  }
0xbf: {  	[dreg:$0x0] =	wrdreg $0xFFFFFFFF;
	(pc) =	sbr.abs _section_cstart, $3  }
0xc0: {  	[dreg:$0x1] =	wrdreg $0xFFFFFFFF  }
0xc1: {  	_ =	task.clear_ibuf [dreg:s7], $0x2FFFF;
	_ =	strace $0x9FFFFFFF  }
0xc2: {  	(tm) =	ssettm $0x7FFFFFFF  }
0xc3: {  	_ =	shalt  }
tec
execute0_lowered:
.L_overlay_start_1:
0x0: {  	(tag) =	ssettag $0x1  }
0x1: {  	s0 =	rddreg [dreg:$0x0]  }
0x2: {  	s1 =	rddreg [dreg:$0x1]  }
0x3: {  	s3 =	simm.s32 $0x0;
	s2 =	srdreg.scid;
	s4 =	stileid.u32  }
0x4: {  	s14 =	simm.s32 $0x7;
	s16 =	simm.s32 $0x800;
	s17 =	simm.s32 $0xC00  }
0x5: {  	s18 =	simm.s32 $0x1;
	s19 =	simm.s32 $0x190;
	s20 =	simm.s32 $0x1000  }
0x6: {  	s21 =	simm.s32 $0x1320;
	s22 =	simm.s32 $0x3;
	s23 =	simm.s32 $0x2  }
0x7: {  	s28 =	simm.s32 $0x5;
	s29 =	simm.s32 $0x6;
	s30 =	simm.s32 $0x0  }
0x8: {  	[smem:$0x7FF] =	sst s3;
	s2 =	sand.u32 $0x1, s2;
	s6 =	sshll.u32 s4, $0xA  }
0x9: {  	s4 =	sadd.s32 $0xF43600, s0;
	s5 =	sadd.s32 $0x1200, s0;
	s24 =	sadd.s32 $0x1000, s0  }
0xa: {  	s0 =	sadd.s32 $0xE00, s0;
	_ =	strace $0x80000047;
	s7 =	sshll.u32 s2, $0x9  }
0xb: {  	[dreg:$0x3] =	wrdreg s24;
	s2 =	ssub.s32 $0x2, s2;
	s6 =	sor.u32 s7, s6  }
0xc: {  	[dreg:$0x4] =	wrdreg s0;
	s26 =	sshrl.u32 s2, $0x1;
	s25 =	sshll.u32 s6, $0x4  }
0xd: {  	s24 =	simm.s32 $0x1190;
	s0 =	ssub.s32 s2, s26;
	s7 =	sadd.s32 s5, s25  }
0xe: {  	s11 =	sor.u32 $0x10, s6;
	s0 =	smax.u32 s0, $0x1;
	[dreg:$0x5] =	wrdreg s7  }
0xf: {  	s12 =	sor.u32 $0x18, s6;
	s31 =	sadd.s32 $0x80, s7;
	[dreg:$0x7] =	wrdreg s0  }
0x10: {  	s26 =	simm.s32 $0x4;
	s25 =	simm.s32 $0xDB20;
	[dreg:$0x6] =	wrdreg s31  }
.LBB2_1:
0x11: {  	s0 =	rddreg [dreg:$0x3]  }
0x12: {  	[tilespmem:s3], [sflag:$0x7] =	stream.linear.gather [hbm4b:s0+s3], $0x400, $0x38;
	[tilespmem:$0x1A320] =	vst v63  }
0x13: {  	_ =	swait.ge [sflag:s14], $0x400  }
0x14: {  	[sflag:s14] =	ssyncset.done $0x0  }
0x15: {  	s2 =	simm.s32 $0x400;
	s10 =	rddreg [dreg:$0x4];
	[sflag:s14] =	ssyncadd.s32 $0xFFFFFC00  }
0x16: {  	[tilespmem:s2], [sflag:$0x7] =	stream.linear.gather [hbm4b:s10+s3], $0x400, $0x38;
	[tilespmem:$0x1A320] =	vst v63  }
0x17: {  	_ =	swait.ge [sflag:s14], $0x400  }
0x18: {  	[sflag:s14] =	ssyncset.done $0x0  }
0x19: {  	s13 =	rddreg [dreg:$0x5];
	[sflag:s14] =	ssyncadd.s32 $0xFFFFFC00  }
0x1a: {  	[tilespmem:s16], [sflag:$0x1] =	stream.linear.gather [hbm4b:s13+s3], $0x400, $0x38;
	[tilespmem:$0x1A320] =	vst v63  }
0x1b: {  	s31 =	simm.s32 $0x0;
	s15 =	rddreg [dreg:$0x6]  }
0x1c: {  	[tilespmem:s17], [sflag:$0x2] =	stream.linear.gather [hbm4b:s15+s3], $0x400, $0x38;
	[tilespmem:$0x1A320] =	vst v63  }
.LBB2_2:
0x1d: {  	_ =	swait.ge [sflag:s18], $0x400  }
0x1e: {  	[sflag:s18] =	ssyncset.done $0x0  }
0x1f: {  	[sflag:s18] =	ssyncadd.s32 $0xFFFFFC00  }
0x20: {  	v0 =	vld [tilespmem:$0x0]  }
0x21: {  	v1 =	vld [tilespmem:$0x400];
	_ =	sdelay $0x4  }
0x22: {  	v40 =	vld [tilespmem:$0x10];
	v2 =	vand.u32 $0xFFFFFFF8, v1;
	v0 =	vshll.u32 v0, $0x7  }
0x23: {  	v41 =	vld [tilespmem:$0x410];
	v1 =	vand.u32 $0x7, v1;
	v0 =	vadd.s32 v0, v2  }
0x24: {  	v0 =	vor.u32 v1, v0;
	_ =	sdelay $0x2  }
0x25: {  	v4 =	vld [tilespmem:$0x20]  }
0x26: {  	v42 =	vld [tilespmem:$0x420];
	v3 =	vand.u32 $0xFFFFFFF8, v41;
	v1 =	vshll.u32 v40, $0x7  }
0x27: {  	v2 =	vand.u32 $0x7, v41;
	v1 =	vadd.s32 v1, v3;
	v0 =	vld.idx.msk [tilespmem:v0+s16+$0x0], $0xffff  }
0x28: {  	v1 =	vor.u32 v2, v1;
	_ =	sdelay $0x2  }
0x29: {  	v45 =	vld [tilespmem:$0x30]  }
0x2a: {  	v46 =	vld [tilespmem:$0x430];
	v43 =	vand.u32 $0xFFFFFFF8, v42;
	v44 =	vshll.u32 v4, $0x7;
	[tilespmem:$0x1000] =	vst v0  }
0x2b: {  	v3 =	vand.u32 $0x7, v42;
	v0 =	vadd.s32 v44, v43;
	v1 =	vld.idx.msk [tilespmem:v1+s16+$0x0], $0xffff  }
0x2c: {  	v0 =	vor.u32 v3, v0;
	_ =	sdelay $0x2  }
0x2d: {  	v48 =	vld [tilespmem:$0x40]  }
0x2e: {  	v49 =	vld [tilespmem:$0x440];
	v47 =	vand.u32 $0xFFFFFFF8, v46;
	v2 =	vshll.u32 v45, $0x7;
	[tilespmem:$0x1010] =	vst v1  }
0x2f: {  	v3 =	vand.u32 $0x7, v46;
	v1 =	vadd.s32 v2, v47;
	v0 =	vld.idx.msk [tilespmem:v0+s16+$0x0], $0xffff  }
0x30: {  	v1 =	vor.u32 v3, v1;
	_ =	sdelay $0x2  }
0x31: {  	v52 =	vld [tilespmem:$0x50]  }
0x32: {  	v53 =	vld [tilespmem:$0x450];
	v50 =	vand.u32 $0xFFFFFFF8, v49;
	v51 =	vshll.u32 v48, $0x7;
	[tilespmem:$0x1020] =	vst v0  }
0x33: {  	v2 =	vand.u32 $0x7, v49;
	v0 =	vadd.s32 v51, v50;
	v1 =	vld.idx.msk [tilespmem:v1+s16+$0x0], $0xffff  }
0x34: {  	v0 =	vor.u32 v2, v0;
	_ =	sdelay $0x2  }
0x35: {  	v55 =	vld [tilespmem:$0x60]  }
0x36: {  	v56 =	vld [tilespmem:$0x460];
	v54 =	vand.u32 $0xFFFFFFF8, v53;
	v2 =	vshll.u32 v52, $0x7;
	[tilespmem:$0x1030] =	vst v1  }
0x37: {  	v3 =	vand.u32 $0x7, v53;
	v1 =	vadd.s32 v2, v54;
	v0 =	vld.idx.msk [tilespmem:v0+s16+$0x0], $0xffff  }
0x38: {  	v1 =	vor.u32 v3, v1;
	_ =	sdelay $0x2  }
0x39: {  	v59 =	vld [tilespmem:$0x70]  }
0x3a: {  	v60 =	vld [tilespmem:$0x470];
	v57 =	vand.u32 $0xFFFFFFF8, v56;
	v58 =	vshll.u32 v55, $0x7;
	[tilespmem:$0x1040] =	vst v0  }
0x3b: {  	v2 =	vand.u32 $0x7, v56;
	v0 =	vadd.s32 v58, v57;
	v1 =	vld.idx.msk [tilespmem:v1+s16+$0x0], $0xffff  }
0x3c: {  	v0 =	vor.u32 v2, v0;
	_ =	sdelay $0x2  }
0x3d: {  	v62 =	vld [tilespmem:$0x80]  }
0x3e: {  	v63 =	vld [tilespmem:$0x480];
	v61 =	vand.u32 $0xFFFFFFF8, v60;
	v2 =	vshll.u32 v59, $0x7;
	[tilespmem:$0x1050] =	vst v1  }
0x3f: {  	v3 =	vand.u32 $0x7, v60;
	v1 =	vadd.s32 v2, v61;
	v0 =	vld.idx.msk [tilespmem:v0+s16+$0x0], $0xffff  }
0x40: {  	v1 =	vor.u32 v3, v1;
	_ =	sdelay $0x2  }
0x41: {  	v8 =	vld [tilespmem:$0x90]  }
0x42: {  	v9 =	vld [tilespmem:$0x490];
	v6 =	vand.u32 $0xFFFFFFF8, v63;
	v7 =	vshll.u32 v62, $0x7;
	[tilespmem:$0x1060] =	vst v0  }
0x43: {  	v2 =	vand.u32 $0x7, v63;
	v0 =	vadd.s32 v7, v6;
	v1 =	vld.idx.msk [tilespmem:v1+s16+$0x0], $0xffff  }
0x44: {  	v0 =	vor.u32 v2, v0;
	_ =	sdelay $0x2  }
0x45: {  	v11 =	vld [tilespmem:$0xA0]  }
0x46: {  	v12 =	vld [tilespmem:$0x4A0];
	v10 =	vand.u32 $0xFFFFFFF8, v9;
	v2 =	vshll.u32 v8, $0x7;
	[tilespmem:$0x1070] =	vst v1  }
0x47: {  	v3 =	vand.u32 $0x7, v9;
	v1 =	vadd.s32 v2, v10;
	v0 =	vld.idx.msk [tilespmem:v0+s16+$0x0], $0xffff  }
0x48: {  	v1 =	vor.u32 v3, v1;
	_ =	sdelay $0x2  }
0x49: {  	v15 =	vld [tilespmem:$0xB0]  }
0x4a: {  	v16 =	vld [tilespmem:$0x4B0];
	v13 =	vand.u32 $0xFFFFFFF8, v12;
	v14 =	vshll.u32 v11, $0x7;
	[tilespmem:$0x1080] =	vst v0  }
0x4b: {  	v2 =	vand.u32 $0x7, v12;
	v0 =	vadd.s32 v14, v13;
	v1 =	vld.idx.msk [tilespmem:v1+s16+$0x0], $0xffff  }
0x4c: {  	v0 =	vor.u32 v2, v0;
	_ =	sdelay $0x2  }
0x4d: {  	v18 =	vld [tilespmem:$0xC0]  }
0x4e: {  	v19 =	vld [tilespmem:$0x4C0];
	v17 =	vand.u32 $0xFFFFFFF8, v16;
	v2 =	vshll.u32 v15, $0x7;
	[tilespmem:$0x1090] =	vst v1  }
0x4f: {  	v3 =	vand.u32 $0x7, v16;
	v1 =	vadd.s32 v2, v17;
	v0 =	vld.idx.msk [tilespmem:v0+s16+$0x0], $0xffff  }
0x50: {  	v1 =	vor.u32 v3, v1;
	_ =	sdelay $0x2  }
0x51: {  	v22 =	vld [tilespmem:$0xD0]  }
0x52: {  	v23 =	vld [tilespmem:$0x4D0];
	v20 =	vand.u32 $0xFFFFFFF8, v19;
	v21 =	vshll.u32 v18, $0x7;
	[tilespmem:$0x10A0] =	vst v0  }
0x53: {  	v2 =	vand.u32 $0x7, v19;
	v0 =	vadd.s32 v21, v20;
	v1 =	vld.idx.msk [tilespmem:v1+s16+$0x0], $0xffff  }
0x54: {  	v0 =	vor.u32 v2, v0;
	_ =	sdelay $0x2  }
0x55: {  	v25 =	vld [tilespmem:$0xE0]  }
0x56: {  	v26 =	vld [tilespmem:$0x4E0];
	v24 =	vand.u32 $0xFFFFFFF8, v23;
	v2 =	vshll.u32 v22, $0x7;
	[tilespmem:$0x10B0] =	vst v1  }
0x57: {  	v3 =	vand.u32 $0x7, v23;
	v1 =	vadd.s32 v2, v24;
	v0 =	vld.idx.msk [tilespmem:v0+s16+$0x0], $0xffff  }
0x58: {  	v1 =	vor.u32 v3, v1;
	_ =	sdelay $0x2  }
0x59: {  	v29 =	vld [tilespmem:$0xF0]  }
0x5a: {  	v30 =	vld [tilespmem:$0x4F0];
	v27 =	vand.u32 $0xFFFFFFF8, v26;
	v28 =	vshll.u32 v25, $0x7;
	[tilespmem:$0x10C0] =	vst v0  }
0x5b: {  	v2 =	vand.u32 $0x7, v26;
	v0 =	vadd.s32 v28, v27;
	v1 =	vld.idx.msk [tilespmem:v1+s16+$0x0], $0xffff  }
0x5c: {  	v0 =	vor.u32 v2, v0;
	_ =	sdelay $0x2  }
0x5d: {  	v32 =	vld [tilespmem:$0x100]  }
0x5e: {  	v33 =	vld [tilespmem:$0x500];
	v31 =	vand.u32 $0xFFFFFFF8, v30;
	v2 =	vshll.u32 v29, $0x7;
	[tilespmem:$0x10D0] =	vst v1  }
0x5f: {  	v3 =	vand.u32 $0x7, v30;
	v1 =	vadd.s32 v2, v31;
	v0 =	vld.idx.msk [tilespmem:v0+s16+$0x0], $0xffff  }
0x60: {  	v1 =	vor.u32 v3, v1;
	_ =	sdelay $0x2  }
0x61: {  	v36 =	vld [tilespmem:$0x110]  }
0x62: {  	v37 =	vld [tilespmem:$0x510];
	v34 =	vand.u32 $0xFFFFFFF8, v33;
	v35 =	vshll.u32 v32, $0x7;
	[tilespmem:$0x10E0] =	vst v0  }
0x63: {  	v2 =	vand.u32 $0x7, v33;
	v0 =	vadd.s32 v35, v34;
	v1 =	vld.idx.msk [tilespmem:v1+s16+$0x0], $0xffff  }
0x64: {  	v0 =	vor.u32 v2, v0;
	_ =	sdelay $0x2  }
0x65: {  	v39 =	vld [tilespmem:$0x120]  }
0x66: {  	v38 =	vand.u32 $0xFFFFFFF8, v37;
	v40 =	vld [tilespmem:$0x520];
	v2 =	vshll.u32 v36, $0x7;
	[tilespmem:$0x10F0] =	vst v1  }
0x67: {  	v3 =	vand.u32 $0x7, v37;
	v1 =	vadd.s32 v2, v38;
	v0 =	vld.idx.msk [tilespmem:v0+s16+$0x0], $0xffff  }
0x68: {  	v1 =	vor.u32 v3, v1;
	_ =	sdelay $0x2  }
0x69: {  	v43 =	vld [tilespmem:$0x130]  }
0x6a: {  	v42 =	vshll.u32 v39, $0x7;
	v41 =	vand.u32 $0xFFFFFFF8, v40;
	v44 =	vld [tilespmem:$0x530];
	[tilespmem:$0x1100] =	vst v0  }
0x6b: {  	v2 =	vand.u32 $0x7, v40;
	v0 =	vadd.s32 v42, v41;
	v1 =	vld.idx.msk [tilespmem:v1+s16+$0x0], $0xffff  }
0x6c: {  	v0 =	vor.u32 v2, v0;
	_ =	sdelay $0x2  }
0x6d: {  	v46 =	vld [tilespmem:$0x140]  }
0x6e: {  	v45 =	vand.u32 $0xFFFFFFF8, v44;
	v47 =	vld [tilespmem:$0x540];
	v2 =	vshll.u32 v43, $0x7;
	[tilespmem:$0x1110] =	vst v1  }
0x6f: {  	v3 =	vand.u32 $0x7, v44;
	v1 =	vadd.s32 v2, v45;
	v0 =	vld.idx.msk [tilespmem:v0+s16+$0x0], $0xffff  }
0x70: {  	v1 =	vor.u32 v3, v1;
	_ =	sdelay $0x2  }
0x71: {  	v50 =	vld [tilespmem:$0x150]  }
0x72: {  	v49 =	vshll.u32 v46, $0x7;
	v48 =	vand.u32 $0xFFFFFFF8, v47;
	v51 =	vld [tilespmem:$0x550];
	[tilespmem:$0x1120] =	vst v0  }
0x73: {  	v2 =	vand.u32 $0x7, v47;
	v0 =	vadd.s32 v49, v48;
	v1 =	vld.idx.msk [tilespmem:v1+s16+$0x0], $0xffff  }
0x74: {  	v0 =	vor.u32 v2, v0;
	_ =	sdelay $0x2  }
0x75: {  	v53 =	vld [tilespmem:$0x160]  }
0x76: {  	v52 =	vand.u32 $0xFFFFFFF8, v51;
	v54 =	vld [tilespmem:$0x560];
	v2 =	vshll.u32 v50, $0x7;
	[tilespmem:$0x1130] =	vst v1  }
0x77: {  	v3 =	vand.u32 $0x7, v51;
	v1 =	vadd.s32 v2, v52;
	v0 =	vld.idx.msk [tilespmem:v0+s16+$0x0], $0xffff  }
0x78: {  	v1 =	vor.u32 v3, v1;
	_ =	sdelay $0x2  }
0x79: {  	v57 =	vld [tilespmem:$0x170]  }
0x7a: {  	v56 =	vshll.u32 v53, $0x7;
	v55 =	vand.u32 $0xFFFFFFF8, v54;
	v58 =	vld [tilespmem:$0x570];
	[tilespmem:$0x1140] =	vst v0  }
0x7b: {  	v2 =	vand.u32 $0x7, v54;
	v0 =	vadd.s32 v56, v55;
	v1 =	vld.idx.msk [tilespmem:v1+s16+$0x0], $0xffff  }
0x7c: {  	v0 =	vor.u32 v2, v0;
	_ =	sdelay $0x2  }
0x7d: {  	v60 =	vld [tilespmem:$0x180]  }
0x7e: {  	v59 =	vand.u32 $0xFFFFFFF8, v58;
	v61 =	vld [tilespmem:$0x580];
	v2 =	vshll.u32 v57, $0x7;
	[tilespmem:$0x1150] =	vst v1  }
0x7f: {  	v3 =	vand.u32 $0x7, v58;
	v1 =	vadd.s32 v2, v59;
	v0 =	vld.idx.msk [tilespmem:v0+s16+$0x0], $0xffff  }
0x80: {  	v1 =	vor.u32 v3, v1;
	_ =	sdelay $0x3  }
0x81: {  	v63 =	vshll.u32 v60, $0x7;
	v62 =	vand.u32 $0xFFFFFFF8, v61;
	[tilespmem:$0x1160] =	vst v0  }
0x82: {  	v2 =	vand.u32 $0x7, v61;
	v0 =	vadd.s32 v63, v62;
	v1 =	vld.idx.msk [tilespmem:v1+s16+$0x0], $0xffff  }
0x83: {  	v0 =	vor.u32 v2, v0;
	_ =	sdelay $0x3  }
0x84: {  	[tilespmem:$0x1170] =	vst v1  }
0x85: {  	v0 =	vld.idx.msk [tilespmem:v0+s16+$0x0], $0xffff;
	_ =	sdelay $0x2  }
0x86: {  	s0 =	sshll.u32 s31, $0x4;
	p0 =	seq.s32 s31, $0x1F  }
0x87: {  	s2 =	sadd.s32 @!p0 s0, s11  }
0x88: {  	s31 =	sadd.s32 $0x1, s31;
	s7 =	sshll.u32 @!p0 s2, $0x4;
	s2 =	sor.u32 s6, s0;
	[tilespmem:$0x1180] =	vst v0  }
0x89: {  	[tilespmem:s21], [sflag:$0x3] =	stream.indirect.gather [hbm4b:s4+s19], $0x80, s20, s19, $0xb8;
	[tilespmem:$0x1A320] =	vst v63  }
0x8a: {  	s8 =	simm.s32 @!p0 $0x0;
	s10 =	smul.u32 $0xC8, s2;
	_ =	swait.ge [sflag:s22], $0xC800  }
0x8b: {  	s9 =	simm.s32 @!p0 $0x800;
	s7 =	sadd.s32 @!p0 s5, s7;
	[sflag:s22] =	ssyncset.done $0x0  }
0x8c: {  	s15 =	sadd.s32 s1, s10;
	s10 =	simm.s32 $0x13A0;
	[sflag:s22] =	ssyncadd.s32 $0xFFFF3800  }
0x8d: {  	[tilespmem:s9], [sflag:$0x1] =	stream.linear.gather @!p0 [hbm4b:s7+s8], $0x400, $0x38;
	[tilespmem:$0x1A320] =	vst v63  }
0x8e: {  	s13 =	sadd.s32 $0x0, s15;
	s7 =	simm.s32 $0x1320;
	s8 =	simm.s32 $0x4  }
.LBB2_3:
0x8f: {  	[hbm4b:s13+s3] =	stream.linear.scatter [tilespmem:s7], [sflag:$0x5], $0x20, $0x38;
	[tilespmem:$0x1A320] =	vst v63  }
0x90: {  	s9 =	smov.u32 s8;
	s7 =	smov.u32 s10;
	p1 =	sne.s32 s8, $0xC4  }
.Ltmp0:
0x91: {  	s8 =	sadd.s32 $0x4, s8;
	(pc) =	sbr.rel @p1 .LBB2_3-.Ltmp0, $2  }
0x92: {  	_ =	sdelay $0x2  }
0x93: {  	s10 =	sadd.s32 $0x80, s10;
	s13 =	sadd.s32 s9, s15  }
0x94: {  	s8 =	smul.u32 $0x640, s2  }
0x95: {  	[hbm4b:s13+s3] =	stream.linear.scatter [tilespmem:s7], [sflag:$0x5], $0x20, $0x38;
	[tilespmem:$0x1A320] =	vst v63  }
0x96: {  	s15 =	sshrl.u32 s8, $0x3  }
0x97: {  	s15 =	sadd.s32 s1, s15  }
0x98: {  	s10 =	simm.s32 $0x4;
	s7 =	sadd.s32 $0xC8, s15  }
0x99: {  	s13 =	simm.s32 $0x2CA0;
	s8 =	simm.s32 $0x2C20;
	s9 =	sadd.s32 $0x0, s7  }
.LBB2_5:
0x9a: {  	[hbm4b:s9+s3] =	stream.linear.scatter [tilespmem:s8], [sflag:$0x5], $0x20, $0x38;
	[tilespmem:$0x1A320] =	vst v63  }
0x9b: {  	s9 =	smov.u32 s10;
	s8 =	smov.u32 s13;
	p1 =	sne.s32 s10, $0xC4  }
.Ltmp1:
0x9c: {  	s10 =	sadd.s32 $0x4, s10;
	(pc) =	sbr.rel @p1 .LBB2_5-.Ltmp1, $2  }
0x9d: {  	_ =	sdelay $0x2  }
0x9e: {  	s13 =	sadd.s32 $0x80, s13;
	s9 =	sadd.s32 s9, s7  }
0x9f: {  	[hbm4b:s9+s3] =	stream.linear.scatter [tilespmem:s8], [sflag:$0x5], $0x20, $0x38;
	[tilespmem:$0x1A320] =	vst v63  }
0xa0: {  	s7 =	sadd.s32 $0x190, s15;
	s8 =	simm.s32 $0x4520  }
0xa1: {  	s10 =	simm.s32 $0x4;
	s13 =	simm.s32 $0x45A0;
	s9 =	sadd.s32 $0x0, s7  }
.LBB2_7:
0xa2: {  	[hbm4b:s9+s3] =	stream.linear.scatter [tilespmem:s8], [sflag:$0x5], $0x20, $0x38;
	[tilespmem:$0x1A320] =	vst v63  }
0xa3: {  	s9 =	smov.u32 s10;
	s8 =	smov.u32 s13;
	p1 =	sne.s32 s10, $0xC4  }
.Ltmp2:
0xa4: {  	s10 =	sadd.s32 $0x4, s10;
	(pc) =	sbr.rel @p1 .LBB2_7-.Ltmp2, $2  }
0xa5: {  	_ =	sdelay $0x2  }
0xa6: {  	s13 =	sadd.s32 $0x80, s13;
	s9 =	sadd.s32 s9, s7  }
0xa7: {  	[hbm4b:s9+s3] =	stream.linear.scatter [tilespmem:s8], [sflag:$0x5], $0x20, $0x38;
	[tilespmem:$0x1A320] =	vst v63  }
0xa8: {  	s7 =	sadd.s32 $0x258, s15;
	s8 =	simm.s32 $0x5E20  }
0xa9: {  	s10 =	simm.s32 $0x4;
	s13 =	simm.s32 $0x5EA0;
	s9 =	sadd.s32 $0x0, s7  }
.LBB2_9:
0xaa: {  	[hbm4b:s9+s3] =	stream.linear.scatter [tilespmem:s8], [sflag:$0x5], $0x20, $0x38;
	[tilespmem:$0x1A320] =	vst v63  }
0xab: {  	s9 =	smov.u32 s10;
	s8 =	smov.u32 s13;
	p1 =	sne.s32 s10, $0xC4  }
.Ltmp3:
0xac: {  	s10 =	sadd.s32 $0x4, s10;
	(pc) =	sbr.rel @p1 .LBB2_9-.Ltmp3, $2  }
0xad: {  	_ =	sdelay $0x2  }
0xae: {  	s13 =	sadd.s32 $0x80, s13;
	s9 =	sadd.s32 s9, s7  }
0xaf: {  	[hbm4b:s9+s3] =	stream.linear.scatter [tilespmem:s8], [sflag:$0x5], $0x20, $0x38;
	[tilespmem:$0x1A320] =	vst v63  }
0xb0: {  	s7 =	sadd.s32 $0x320, s15;
	s8 =	simm.s32 $0x7720  }
0xb1: {  	s10 =	simm.s32 $0x4;
	s13 =	simm.s32 $0x77A0;
	s9 =	sadd.s32 $0x0, s7  }
.LBB2_11:
0xb2: {  	[hbm4b:s9+s3] =	stream.linear.scatter [tilespmem:s8], [sflag:$0x5], $0x20, $0x38;
	[tilespmem:$0x1A320] =	vst v63  }
0xb3: {  	s9 =	smov.u32 s10;
	s8 =	smov.u32 s13;
	p1 =	sne.s32 s10, $0xC4  }
.Ltmp4:
0xb4: {  	s10 =	sadd.s32 $0x4, s10;
	(pc) =	sbr.rel @p1 .LBB2_11-.Ltmp4, $2  }
0xb5: {  	_ =	sdelay $0x2  }
0xb6: {  	s13 =	sadd.s32 $0x80, s13;
	s9 =	sadd.s32 s9, s7  }
0xb7: {  	[hbm4b:s9+s3] =	stream.linear.scatter [tilespmem:s8], [sflag:$0x5], $0x20, $0x38;
	[tilespmem:$0x1A320] =	vst v63  }
0xb8: {  	s7 =	sadd.s32 $0x3E8, s15;
	s8 =	simm.s32 $0x9020  }
0xb9: {  	s10 =	simm.s32 $0x4;
	s13 =	simm.s32 $0x90A0;
	s9 =	sadd.s32 $0x0, s7  }
.LBB2_13:
0xba: {  	[hbm4b:s9+s3] =	stream.linear.scatter [tilespmem:s8], [sflag:$0x5], $0x20, $0x38;
	[tilespmem:$0x1A320] =	vst v63  }
0xbb: {  	s9 =	smov.u32 s10;
	s8 =	smov.u32 s13;
	p1 =	sne.s32 s10, $0xC4  }
.Ltmp5:
0xbc: {  	s10 =	sadd.s32 $0x4, s10;
	(pc) =	sbr.rel @p1 .LBB2_13-.Ltmp5, $2  }
0xbd: {  	_ =	sdelay $0x2  }
0xbe: {  	s13 =	sadd.s32 $0x80, s13;
	s9 =	sadd.s32 s9, s7  }
0xbf: {  	[hbm4b:s9+s3] =	stream.linear.scatter [tilespmem:s8], [sflag:$0x5], $0x20, $0x38;
	[tilespmem:$0x1A320] =	vst v63  }
0xc0: {  	s7 =	sadd.s32 $0x4B0, s15;
	s8 =	simm.s32 $0xA920  }
0xc1: {  	s10 =	simm.s32 $0x4;
	s13 =	simm.s32 $0xA9A0;
	s9 =	sadd.s32 $0x0, s7  }
.LBB2_15:
0xc2: {  	[hbm4b:s9+s3] =	stream.linear.scatter [tilespmem:s8], [sflag:$0x5], $0x20, $0x38;
	[tilespmem:$0x1A320] =	vst v63  }
0xc3: {  	s9 =	smov.u32 s10;
	s8 =	smov.u32 s13;
	p1 =	sne.s32 s10, $0xC4  }
.Ltmp6:
0xc4: {  	s10 =	sadd.s32 $0x4, s10;
	(pc) =	sbr.rel @p1 .LBB2_15-.Ltmp6, $2  }
0xc5: {  	_ =	sdelay $0x2  }
0xc6: {  	s13 =	sadd.s32 $0x80, s13;
	s9 =	sadd.s32 s9, s7  }
0xc7: {  	[hbm4b:s9+s3] =	stream.linear.scatter [tilespmem:s8], [sflag:$0x5], $0x20, $0x38;
	[tilespmem:$0x1A320] =	vst v63  }
0xc8: {  	s7 =	sadd.s32 $0x578, s15;
	s8 =	simm.s32 $0xC220  }
0xc9: {  	s10 =	simm.s32 $0x4;
	s13 =	simm.s32 $0xC2A0;
	s9 =	sadd.s32 $0x0, s7  }
.LBB2_17:
0xca: {  	[hbm4b:s9+s3] =	stream.linear.scatter [tilespmem:s8], [sflag:$0x5], $0x20, $0x38;
	[tilespmem:$0x1A320] =	vst v63  }
0xcb: {  	s9 =	smov.u32 s10;
	s8 =	smov.u32 s13;
	p1 =	sne.s32 s10, $0xC4  }
.Ltmp7:
0xcc: {  	s10 =	sadd.s32 $0x4, s10;
	(pc) =	sbr.rel @p1 .LBB2_17-.Ltmp7, $2  }
0xcd: {  	_ =	sdelay $0x2  }
0xce: {  	s13 =	sadd.s32 $0x80, s13;
	s9 =	sadd.s32 s9, s7  }
0xcf: {  	[hbm4b:s9+s3] =	stream.linear.scatter [tilespmem:s8], [sflag:$0x5], $0x20, $0x38;
	[tilespmem:$0x1A320] =	vst v63  }
0xd0: {  	_ =	swait.ge [sflag:s23], $0x400  }
0xd1: {  	[sflag:s23] =	ssyncset.done $0x0  }
0xd2: {  	[sflag:s23] =	ssyncadd.s32 $0xFFFFFC00  }
0xd3: {  	v0 =	vld [tilespmem:$0x0]  }
0xd4: {  	v1 =	vld [tilespmem:$0x400];
	_ =	sdelay $0x4  }
0xd5: {  	v40 =	vld [tilespmem:$0x10];
	v2 =	vand.u32 $0xFFFFFFF8, v1;
	v0 =	vshll.u32 v0, $0x7  }
0xd6: {  	v41 =	vld [tilespmem:$0x410];
	v1 =	vand.u32 $0x7, v1;
	v0 =	vadd.s32 v0, v2  }
0xd7: {  	v0 =	vor.u32 v1, v0;
	_ =	sdelay $0x2  }
0xd8: {  	v4 =	vld [tilespmem:$0x20]  }
0xd9: {  	v42 =	vld [tilespmem:$0x420];
	v3 =	vand.u32 $0xFFFFFFF8, v41;
	v1 =	vshll.u32 v40, $0x7  }
0xda: {  	v2 =	vand.u32 $0x7, v41;
	v1 =	vadd.s32 v1, v3;
	v0 =	vld.idx.msk [tilespmem:v0+s17+$0x0], $0xffff  }
0xdb: {  	v1 =	vor.u32 v2, v1;
	_ =	sdelay $0x2  }
0xdc: {  	v45 =	vld [tilespmem:$0x30]  }
0xdd: {  	v46 =	vld [tilespmem:$0x430];
	v43 =	vand.u32 $0xFFFFFFF8, v42;
	v44 =	vshll.u32 v4, $0x7;
	[tilespmem:$0x1190] =	vst v0  }
0xde: {  	v3 =	vand.u32 $0x7, v42;
	v0 =	vadd.s32 v44, v43;
	v1 =	vld.idx.msk [tilespmem:v1+s17+$0x0], $0xffff  }
0xdf: {  	v0 =	vor.u32 v3, v0;
	_ =	sdelay $0x2  }
0xe0: {  	v48 =	vld [tilespmem:$0x40]  }
0xe1: {  	v49 =	vld [tilespmem:$0x440];
	v47 =	vand.u32 $0xFFFFFFF8, v46;
	v2 =	vshll.u32 v45, $0x7;
	[tilespmem:$0x11A0] =	vst v1  }
0xe2: {  	v3 =	vand.u32 $0x7, v46;
	v1 =	vadd.s32 v2, v47;
	v0 =	vld.idx.msk [tilespmem:v0+s17+$0x0], $0xffff  }
0xe3: {  	v1 =	vor.u32 v3, v1;
	_ =	sdelay $0x2  }
0xe4: {  	v52 =	vld [tilespmem:$0x50]  }
0xe5: {  	v53 =	vld [tilespmem:$0x450];
	v50 =	vand.u32 $0xFFFFFFF8, v49;
	v51 =	vshll.u32 v48, $0x7;
	[tilespmem:$0x11B0] =	vst v0  }
0xe6: {  	v2 =	vand.u32 $0x7, v49;
	v0 =	vadd.s32 v51, v50;
	v1 =	vld.idx.msk [tilespmem:v1+s17+$0x0], $0xffff  }
0xe7: {  	v0 =	vor.u32 v2, v0;
	_ =	sdelay $0x2  }
0xe8: {  	v55 =	vld [tilespmem:$0x60]  }
0xe9: {  	v56 =	vld [tilespmem:$0x460];
	v54 =	vand.u32 $0xFFFFFFF8, v53;
	v2 =	vshll.u32 v52, $0x7;
	[tilespmem:$0x11C0] =	vst v1  }
0xea: {  	v3 =	vand.u32 $0x7, v53;
	v1 =	vadd.s32 v2, v54;
	v0 =	vld.idx.msk [tilespmem:v0+s17+$0x0], $0xffff  }
0xeb: {  	v1 =	vor.u32 v3, v1;
	_ =	sdelay $0x2  }
0xec: {  	v59 =	vld [tilespmem:$0x70]  }
0xed: {  	v60 =	vld [tilespmem:$0x470];
	v57 =	vand.u32 $0xFFFFFFF8, v56;
	v58 =	vshll.u32 v55, $0x7;
	[tilespmem:$0x11D0] =	vst v0  }
0xee: {  	v2 =	vand.u32 $0x7, v56;
	v0 =	vadd.s32 v58, v57;
	v1 =	vld.idx.msk [tilespmem:v1+s17+$0x0], $0xffff  }
0xef: {  	v0 =	vor.u32 v2, v0;
	_ =	sdelay $0x2  }
0xf0: {  	v62 =	vld [tilespmem:$0x80]  }
0xf1: {  	v63 =	vld [tilespmem:$0x480];
	v61 =	vand.u32 $0xFFFFFFF8, v60;
	v2 =	vshll.u32 v59, $0x7;
	[tilespmem:$0x11E0] =	vst v1  }
0xf2: {  	v3 =	vand.u32 $0x7, v60;
	v1 =	vadd.s32 v2, v61;
	v0 =	vld.idx.msk [tilespmem:v0+s17+$0x0], $0xffff  }
0xf3: {  	v1 =	vor.u32 v3, v1;
	_ =	sdelay $0x2  }
0xf4: {  	v8 =	vld [tilespmem:$0x90]  }
0xf5: {  	v9 =	vld [tilespmem:$0x490];
	v6 =	vand.u32 $0xFFFFFFF8, v63;
	v7 =	vshll.u32 v62, $0x7;
	[tilespmem:$0x11F0] =	vst v0  }
0xf6: {  	v2 =	vand.u32 $0x7, v63;
	v0 =	vadd.s32 v7, v6;
	v1 =	vld.idx.msk [tilespmem:v1+s17+$0x0], $0xffff  }
0xf7: {  	v0 =	vor.u32 v2, v0;
	_ =	sdelay $0x2  }
0xf8: {  	v11 =	vld [tilespmem:$0xA0]  }
0xf9: {  	v12 =	vld [tilespmem:$0x4A0];
	v10 =	vand.u32 $0xFFFFFFF8, v9;
	v2 =	vshll.u32 v8, $0x7;
	[tilespmem:$0x1200] =	vst v1  }
0xfa: {  	v3 =	vand.u32 $0x7, v9;
	v1 =	vadd.s32 v2, v10;
	v0 =	vld.idx.msk [tilespmem:v0+s17+$0x0], $0xffff  }
0xfb: {  	v1 =	vor.u32 v3, v1;
	_ =	sdelay $0x2  }
0xfc: {  	v15 =	vld [tilespmem:$0xB0]  }
0xfd: {  	v16 =	vld [tilespmem:$0x4B0];
	v13 =	vand.u32 $0xFFFFFFF8, v12;
	v14 =	vshll.u32 v11, $0x7;
	[tilespmem:$0x1210] =	vst v0  }
0xfe: {  	v2 =	vand.u32 $0x7, v12;
	v0 =	vadd.s32 v14, v13;
	v1 =	vld.idx.msk [tilespmem:v1+s17+$0x0], $0xffff  }
0xff: {  	v0 =	vor.u32 v2, v0;
	_ =	sdelay $0x2  }
0x100: {  	v18 =	vld [tilespmem:$0xC0]  }
0x101: {  	v19 =	vld [tilespmem:$0x4C0];
	v17 =	vand.u32 $0xFFFFFFF8, v16;
	v2 =	vshll.u32 v15, $0x7;
	[tilespmem:$0x1220] =	vst v1  }
0x102: {  	v3 =	vand.u32 $0x7, v16;
	v1 =	vadd.s32 v2, v17;
	v0 =	vld.idx.msk [tilespmem:v0+s17+$0x0], $0xffff  }
0x103: {  	v1 =	vor.u32 v3, v1;
	_ =	sdelay $0x2  }
0x104: {  	v22 =	vld [tilespmem:$0xD0]  }
0x105: {  	v23 =	vld [tilespmem:$0x4D0];
	v20 =	vand.u32 $0xFFFFFFF8, v19;
	v21 =	vshll.u32 v18, $0x7;
	[tilespmem:$0x1230] =	vst v0  }
0x106: {  	v2 =	vand.u32 $0x7, v19;
	v0 =	vadd.s32 v21, v20;
	v1 =	vld.idx.msk [tilespmem:v1+s17+$0x0], $0xffff  }
0x107: {  	v0 =	vor.u32 v2, v0;
	_ =	sdelay $0x2  }
0x108: {  	v25 =	vld [tilespmem:$0xE0]  }
0x109: {  	v26 =	vld [tilespmem:$0x4E0];
	v24 =	vand.u32 $0xFFFFFFF8, v23;
	v2 =	vshll.u32 v22, $0x7;
	[tilespmem:$0x1240] =	vst v1  }
0x10a: {  	v3 =	vand.u32 $0x7, v23;
	v1 =	vadd.s32 v2, v24;
	v0 =	vld.idx.msk [tilespmem:v0+s17+$0x0], $0xffff  }
0x10b: {  	v1 =	vor.u32 v3, v1;
	_ =	sdelay $0x2  }
0x10c: {  	v29 =	vld [tilespmem:$0xF0]  }
0x10d: {  	v30 =	vld [tilespmem:$0x4F0];
	v27 =	vand.u32 $0xFFFFFFF8, v26;
	v28 =	vshll.u32 v25, $0x7;
	[tilespmem:$0x1250] =	vst v0  }
0x10e: {  	v2 =	vand.u32 $0x7, v26;
	v0 =	vadd.s32 v28, v27;
	v1 =	vld.idx.msk [tilespmem:v1+s17+$0x0], $0xffff  }
0x10f: {  	v0 =	vor.u32 v2, v0;
	_ =	sdelay $0x2  }
0x110: {  	v32 =	vld [tilespmem:$0x100]  }
0x111: {  	v33 =	vld [tilespmem:$0x500];
	v31 =	vand.u32 $0xFFFFFFF8, v30;
	v2 =	vshll.u32 v29, $0x7;
	[tilespmem:$0x1260] =	vst v1  }
0x112: {  	v3 =	vand.u32 $0x7, v30;
	v1 =	vadd.s32 v2, v31;
	v0 =	vld.idx.msk [tilespmem:v0+s17+$0x0], $0xffff  }
0x113: {  	v1 =	vor.u32 v3, v1;
	_ =	sdelay $0x2  }
0x114: {  	v36 =	vld [tilespmem:$0x110]  }
0x115: {  	v37 =	vld [tilespmem:$0x510];
	v34 =	vand.u32 $0xFFFFFFF8, v33;
	v35 =	vshll.u32 v32, $0x7;
	[tilespmem:$0x1270] =	vst v0  }
0x116: {  	v2 =	vand.u32 $0x7, v33;
	v0 =	vadd.s32 v35, v34;
	v1 =	vld.idx.msk [tilespmem:v1+s17+$0x0], $0xffff  }
0x117: {  	v0 =	vor.u32 v2, v0;
	_ =	sdelay $0x2  }
0x118: {  	v39 =	vld [tilespmem:$0x120]  }
0x119: {  	v38 =	vand.u32 $0xFFFFFFF8, v37;
	v40 =	vld [tilespmem:$0x520];
	v2 =	vshll.u32 v36, $0x7;
	[tilespmem:$0x1280] =	vst v1  }
0x11a: {  	v3 =	vand.u32 $0x7, v37;
	v1 =	vadd.s32 v2, v38;
	v0 =	vld.idx.msk [tilespmem:v0+s17+$0x0], $0xffff  }
0x11b: {  	v1 =	vor.u32 v3, v1;
	_ =	sdelay $0x2  }
0x11c: {  	v43 =	vld [tilespmem:$0x130]  }
0x11d: {  	v42 =	vshll.u32 v39, $0x7;
	v41 =	vand.u32 $0xFFFFFFF8, v40;
	v44 =	vld [tilespmem:$0x530];
	[tilespmem:$0x1290] =	vst v0  }
0x11e: {  	v2 =	vand.u32 $0x7, v40;
	v0 =	vadd.s32 v42, v41;
	v1 =	vld.idx.msk [tilespmem:v1+s17+$0x0], $0xffff  }
0x11f: {  	v0 =	vor.u32 v2, v0;
	_ =	sdelay $0x2  }
0x120: {  	v46 =	vld [tilespmem:$0x140]  }
0x121: {  	v45 =	vand.u32 $0xFFFFFFF8, v44;
	v47 =	vld [tilespmem:$0x540];
	v2 =	vshll.u32 v43, $0x7;
	[tilespmem:$0x12A0] =	vst v1  }
0x122: {  	v3 =	vand.u32 $0x7, v44;
	v1 =	vadd.s32 v2, v45;
	v0 =	vld.idx.msk [tilespmem:v0+s17+$0x0], $0xffff  }
0x123: {  	v1 =	vor.u32 v3, v1;
	_ =	sdelay $0x2  }
0x124: {  	v50 =	vld [tilespmem:$0x150]  }
0x125: {  	v49 =	vshll.u32 v46, $0x7;
	v48 =	vand.u32 $0xFFFFFFF8, v47;
	v51 =	vld [tilespmem:$0x550];
	[tilespmem:$0x12B0] =	vst v0  }
0x126: {  	v2 =	vand.u32 $0x7, v47;
	v0 =	vadd.s32 v49, v48;
	v1 =	vld.idx.msk [tilespmem:v1+s17+$0x0], $0xffff  }
0x127: {  	v0 =	vor.u32 v2, v0;
	_ =	sdelay $0x2  }
0x128: {  	v53 =	vld [tilespmem:$0x160]  }
0x129: {  	v52 =	vand.u32 $0xFFFFFFF8, v51;
	v54 =	vld [tilespmem:$0x560];
	v2 =	vshll.u32 v50, $0x7;
	[tilespmem:$0x12C0] =	vst v1  }
0x12a: {  	v3 =	vand.u32 $0x7, v51;
	v1 =	vadd.s32 v2, v52;
	v0 =	vld.idx.msk [tilespmem:v0+s17+$0x0], $0xffff  }
0x12b: {  	v1 =	vor.u32 v3, v1;
	_ =	sdelay $0x2  }
0x12c: {  	v57 =	vld [tilespmem:$0x170]  }
0x12d: {  	v56 =	vshll.u32 v53, $0x7;
	v55 =	vand.u32 $0xFFFFFFF8, v54;
	v58 =	vld [tilespmem:$0x570];
	[tilespmem:$0x12D0] =	vst v0  }
0x12e: {  	v2 =	vand.u32 $0x7, v54;
	v0 =	vadd.s32 v56, v55;
	v1 =	vld.idx.msk [tilespmem:v1+s17+$0x0], $0xffff  }
0x12f: {  	v0 =	vor.u32 v2, v0;
	_ =	sdelay $0x2  }
0x130: {  	v60 =	vld [tilespmem:$0x180]  }
0x131: {  	v59 =	vand.u32 $0xFFFFFFF8, v58;
	v61 =	vld [tilespmem:$0x580];
	v2 =	vshll.u32 v57, $0x7;
	[tilespmem:$0x12E0] =	vst v1  }
0x132: {  	v3 =	vand.u32 $0x7, v58;
	v1 =	vadd.s32 v2, v59;
	v0 =	vld.idx.msk [tilespmem:v0+s17+$0x0], $0xffff  }
0x133: {  	v1 =	vor.u32 v3, v1;
	_ =	sdelay $0x3  }
0x134: {  	v63 =	vshll.u32 v60, $0x7;
	v62 =	vand.u32 $0xFFFFFFF8, v61;
	[tilespmem:$0x12F0] =	vst v0  }
0x135: {  	v2 =	vand.u32 $0x7, v61;
	v0 =	vadd.s32 v63, v62;
	v1 =	vld.idx.msk [tilespmem:v1+s17+$0x0], $0xffff  }
0x136: {  	v0 =	vor.u32 v2, v0;
	_ =	sdelay $0x3  }
0x137: {  	[tilespmem:$0x1300] =	vst v1  }
0x138: {  	v0 =	vld.idx.msk [tilespmem:v0+s17+$0x0], $0xffff;
	_ =	sdelay $0x4  }
0x139: {  	s0 =	sadd.s32 @!p0 s0, s12;
	[tilespmem:$0x1310] =	vst v0  }
0x13a: {  	[tilespmem:s25], [sflag:$0x4] =	stream.indirect.gather [hbm4b:s4+s19], $0x80, s24, s19, $0xb8;
	[tilespmem:$0x1A320] =	vst v63  }
0x13b: {  	s8 =	simm.s32 @!p0 $0xC00;
	s7 =	sshll.u32 @!p0 s0, $0x4;
	_ =	swait.ge [sflag:s26], $0xC800  }
0x13c: {  	s0 =	sor.u32 $0x8, s2;
	s2 =	sadd.s32 @!p0 s5, s7;
	[sflag:s26] =	ssyncset.done $0x0  }
0x13d: {  	s7 =	simm.s32 @!p0 $0x0;
	s15 =	smul.u32 $0xC8, s0;
	[sflag:s26] =	ssyncadd.s32 $0xFFFF3800  }
0x13e: {  	[tilespmem:s8], [sflag:$0x2] =	stream.linear.gather @!p0 [hbm4b:s2+s7], $0x400, $0x38;
	[tilespmem:$0x1A320] =	vst v63  }
0x13f: {  	s10 =	simm.s32 $0xDBA0;
	s2 =	sadd.s32 s1, s15  }
0x140: {  	s7 =	simm.s32 $0xDB20;
	s8 =	simm.s32 $0x4;
	s13 =	sadd.s32 $0x0, s2  }
.LBB2_19:
0x141: {  	[hbm4b:s13+s3] =	stream.linear.scatter [tilespmem:s7], [sflag:$0x6], $0x20, $0x38;
	[tilespmem:$0x1A320] =	vst v63  }
0x142: {  	s9 =	smov.u32 s8;
	s7 =	smov.u32 s10;
	p0 =	sne.s32 s8, $0xC4  }
.Ltmp8:
0x143: {  	s8 =	sadd.s32 $0x4, s8;
	(pc) =	sbr.rel @p0 .LBB2_19-.Ltmp8, $2  }
0x144: {  	_ =	sdelay $0x2  }
0x145: {  	s10 =	sadd.s32 $0x80, s10;
	s13 =	sadd.s32 s9, s2  }
0x146: {  	s0 =	smul.u32 $0x640, s0  }
0x147: {  	[hbm4b:s13+s3] =	stream.linear.scatter [tilespmem:s7], [sflag:$0x6], $0x20, $0x38;
	[tilespmem:$0x1A320] =	vst v63  }
0x148: {  	s0 =	sshrl.u32 s0, $0x3  }
0x149: {  	s0 =	sadd.s32 s1, s0  }
0x14a: {  	s7 =	simm.s32 $0xF420;
	s2 =	sadd.s32 $0xC8, s0  }
0x14b: {  	s8 =	simm.s32 $0x4;
	s10 =	simm.s32 $0xF4A0;
	s9 =	sadd.s32 $0x0, s2  }
.LBB2_21:
0x14c: {  	[hbm4b:s9+s3] =	stream.linear.scatter [tilespmem:s7], [sflag:$0x6], $0x20, $0x38;
	[tilespmem:$0x1A320] =	vst v63  }
0x14d: {  	s9 =	smov.u32 s8;
	s7 =	smov.u32 s10;
	p0 =	sne.s32 s8, $0xC4  }
.Ltmp9:
0x14e: {  	s8 =	sadd.s32 $0x4, s8;
	(pc) =	sbr.rel @p0 .LBB2_21-.Ltmp9, $2  }
0x14f: {  	_ =	sdelay $0x2  }
0x150: {  	s10 =	sadd.s32 $0x80, s10;
	s9 =	sadd.s32 s9, s2  }
0x151: {  	[hbm4b:s9+s3] =	stream.linear.scatter [tilespmem:s7], [sflag:$0x6], $0x20, $0x38;
	[tilespmem:$0x1A320] =	vst v63  }
0x152: {  	s2 =	sadd.s32 $0x190, s0;
	s7 =	simm.s32 $0x10D20  }
0x153: {  	s8 =	simm.s32 $0x4;
	s10 =	simm.s32 $0x10DA0;
	s9 =	sadd.s32 $0x0, s2  }
.LBB2_23:
0x154: {  	[hbm4b:s9+s3] =	stream.linear.scatter [tilespmem:s7], [sflag:$0x6], $0x20, $0x38;
	[tilespmem:$0x1A320] =	vst v63  }
0x155: {  	s9 =	smov.u32 s8;
	s7 =	smov.u32 s10;
	p0 =	sne.s32 s8, $0xC4  }
.Ltmp10:
0x156: {  	s8 =	sadd.s32 $0x4, s8;
	(pc) =	sbr.rel @p0 .LBB2_23-.Ltmp10, $2  }
0x157: {  	_ =	sdelay $0x2  }
0x158: {  	s10 =	sadd.s32 $0x80, s10;
	s9 =	sadd.s32 s9, s2  }
0x159: {  	[hbm4b:s9+s3] =	stream.linear.scatter [tilespmem:s7], [sflag:$0x6], $0x20, $0x38;
	[tilespmem:$0x1A320] =	vst v63  }
0x15a: {  	s2 =	sadd.s32 $0x258, s0;
	s7 =	simm.s32 $0x12620  }
0x15b: {  	s8 =	simm.s32 $0x4;
	s10 =	simm.s32 $0x126A0;
	s9 =	sadd.s32 $0x0, s2  }
.LBB2_25:
0x15c: {  	[hbm4b:s9+s3] =	stream.linear.scatter [tilespmem:s7], [sflag:$0x6], $0x20, $0x38;
	[tilespmem:$0x1A320] =	vst v63  }
0x15d: {  	s9 =	smov.u32 s8;
	s7 =	smov.u32 s10;
	p0 =	sne.s32 s8, $0xC4  }
.Ltmp11:
0x15e: {  	s8 =	sadd.s32 $0x4, s8;
	(pc) =	sbr.rel @p0 .LBB2_25-.Ltmp11, $2  }
0x15f: {  	_ =	sdelay $0x2  }
0x160: {  	s10 =	sadd.s32 $0x80, s10;
	s9 =	sadd.s32 s9, s2  }
0x161: {  	[hbm4b:s9+s3] =	stream.linear.scatter [tilespmem:s7], [sflag:$0x6], $0x20, $0x38;
	[tilespmem:$0x1A320] =	vst v63  }
0x162: {  	s2 =	sadd.s32 $0x320, s0;
	s7 =	simm.s32 $0x13F20  }
0x163: {  	s8 =	simm.s32 $0x4;
	s10 =	simm.s32 $0x13FA0;
	s9 =	sadd.s32 $0x0, s2  }
.LBB2_27:
0x164: {  	[hbm4b:s9+s3] =	stream.linear.scatter [tilespmem:s7], [sflag:$0x6], $0x20, $0x38;
	[tilespmem:$0x1A320] =	vst v63  }
0x165: {  	s9 =	smov.u32 s8;
	s7 =	smov.u32 s10;
	p0 =	sne.s32 s8, $0xC4  }
.Ltmp12:
0x166: {  	s8 =	sadd.s32 $0x4, s8;
	(pc) =	sbr.rel @p0 .LBB2_27-.Ltmp12, $2  }
0x167: {  	_ =	sdelay $0x2  }
0x168: {  	s10 =	sadd.s32 $0x80, s10;
	s9 =	sadd.s32 s9, s2  }
0x169: {  	[hbm4b:s9+s3] =	stream.linear.scatter [tilespmem:s7], [sflag:$0x6], $0x20, $0x38;
	[tilespmem:$0x1A320] =	vst v63  }
0x16a: {  	s2 =	sadd.s32 $0x3E8, s0;
	s7 =	simm.s32 $0x15820  }
0x16b: {  	s8 =	simm.s32 $0x4;
	s10 =	simm.s32 $0x158A0;
	s9 =	sadd.s32 $0x0, s2  }
.LBB2_29:
0x16c: {  	[hbm4b:s9+s3] =	stream.linear.scatter [tilespmem:s7], [sflag:$0x6], $0x20, $0x38;
	[tilespmem:$0x1A320] =	vst v63  }
0x16d: {  	s9 =	smov.u32 s8;
	s7 =	smov.u32 s10;
	p0 =	sne.s32 s8, $0xC4  }
.Ltmp13:
0x16e: {  	s8 =	sadd.s32 $0x4, s8;
	(pc) =	sbr.rel @p0 .LBB2_29-.Ltmp13, $2  }
0x16f: {  	_ =	sdelay $0x2  }
0x170: {  	s10 =	sadd.s32 $0x80, s10;
	s9 =	sadd.s32 s9, s2  }
0x171: {  	[hbm4b:s9+s3] =	stream.linear.scatter [tilespmem:s7], [sflag:$0x6], $0x20, $0x38;
	[tilespmem:$0x1A320] =	vst v63  }
0x172: {  	s2 =	sadd.s32 $0x4B0, s0;
	s7 =	simm.s32 $0x17120  }
0x173: {  	s8 =	simm.s32 $0x4;
	s10 =	simm.s32 $0x171A0;
	s9 =	sadd.s32 $0x0, s2  }
.LBB2_31:
0x174: {  	[hbm4b:s9+s3] =	stream.linear.scatter [tilespmem:s7], [sflag:$0x6], $0x20, $0x38;
	[tilespmem:$0x1A320] =	vst v63  }
0x175: {  	s9 =	smov.u32 s8;
	s7 =	smov.u32 s10;
	p0 =	sne.s32 s8, $0xC4  }
.Ltmp14:
0x176: {  	s8 =	sadd.s32 $0x4, s8;
	(pc) =	sbr.rel @p0 .LBB2_31-.Ltmp14, $2  }
0x177: {  	_ =	sdelay $0x2  }
0x178: {  	s10 =	sadd.s32 $0x80, s10;
	s9 =	sadd.s32 s9, s2  }
0x179: {  	[hbm4b:s9+s3] =	stream.linear.scatter [tilespmem:s7], [sflag:$0x6], $0x20, $0x38;
	[tilespmem:$0x1A320] =	vst v63  }
0x17a: {  	s0 =	sadd.s32 $0x578, s0;
	s2 =	simm.s32 $0x18A20  }
0x17b: {  	s7 =	simm.s32 $0x4;
	s8 =	simm.s32 $0x18AA0;
	s9 =	sadd.s32 $0x0, s0  }
.LBB2_33:
0x17c: {  	[hbm4b:s9+s3] =	stream.linear.scatter [tilespmem:s2], [sflag:$0x6], $0x20, $0x38;
	[tilespmem:$0x1A320] =	vst v63  }
0x17d: {  	s9 =	smov.u32 s7;
	s2 =	smov.u32 s8;
	p0 =	sne.s32 s7, $0xC4  }
.Ltmp15:
0x17e: {  	s7 =	sadd.s32 $0x4, s7;
	(pc) =	sbr.rel @p0 .LBB2_33-.Ltmp15, $2  }
0x17f: {  	_ =	sdelay $0x2  }
0x180: {  	s8 =	sadd.s32 $0x80, s8;
	s9 =	sadd.s32 s9, s0  }
0x181: {  	[hbm4b:s9+s3] =	stream.linear.scatter [tilespmem:s2], [sflag:$0x6], $0x20, $0x38;
	[tilespmem:$0x1A320] =	vst v63  }
0x182: {  	_ =	swait.ge [sflag:s28], $0x640  }
0x183: {  	[sflag:s28] =	ssyncset.done $0x0  }
0x184: {  	[sflag:s28] =	ssyncadd.s32 $0xFFFFF9C0  }
0x185: {  	_ =	swait.ge [sflag:s28], $0x640  }
0x186: {  	[sflag:s28] =	ssyncset.done $0x0  }
0x187: {  	[sflag:s28] =	ssyncadd.s32 $0xFFFFF9C0  }
0x188: {  	_ =	swait.ge [sflag:s28], $0x640  }
0x189: {  	[sflag:s28] =	ssyncset.done $0x0  }
0x18a: {  	[sflag:s28] =	ssyncadd.s32 $0xFFFFF9C0  }
0x18b: {  	_ =	swait.ge [sflag:s28], $0x640  }
0x18c: {  	[sflag:s28] =	ssyncset.done $0x0  }
0x18d: {  	[sflag:s28] =	ssyncadd.s32 $0xFFFFF9C0  }
0x18e: {  	_ =	swait.ge [sflag:s28], $0x640  }
0x18f: {  	[sflag:s28] =	ssyncset.done $0x0  }
0x190: {  	[sflag:s28] =	ssyncadd.s32 $0xFFFFF9C0  }
0x191: {  	_ =	swait.ge [sflag:s28], $0x640  }
0x192: {  	[sflag:s28] =	ssyncset.done $0x0  }
0x193: {  	[sflag:s28] =	ssyncadd.s32 $0xFFFFF9C0  }
0x194: {  	_ =	swait.ge [sflag:s28], $0x640  }
0x195: {  	[sflag:s28] =	ssyncset.done $0x0  }
0x196: {  	[sflag:s28] =	ssyncadd.s32 $0xFFFFF9C0  }
0x197: {  	_ =	swait.ge [sflag:s28], $0x640  }
0x198: {  	[sflag:s28] =	ssyncset.done $0x0  }
0x199: {  	[sflag:s28] =	ssyncadd.s32 $0xFFFFF9C0  }
0x19a: {  	_ =	swait.ge [sflag:s29], $0x640  }
0x19b: {  	[sflag:s29] =	ssyncset.done $0x0  }
0x19c: {  	[sflag:s29] =	ssyncadd.s32 $0xFFFFF9C0  }
0x19d: {  	_ =	swait.ge [sflag:s29], $0x640  }
0x19e: {  	[sflag:s29] =	ssyncset.done $0x0  }
0x19f: {  	[sflag:s29] =	ssyncadd.s32 $0xFFFFF9C0  }
0x1a0: {  	_ =	swait.ge [sflag:s29], $0x640  }
0x1a1: {  	[sflag:s29] =	ssyncset.done $0x0  }
0x1a2: {  	[sflag:s29] =	ssyncadd.s32 $0xFFFFF9C0  }
0x1a3: {  	_ =	swait.ge [sflag:s29], $0x640  }
0x1a4: {  	[sflag:s29] =	ssyncset.done $0x0  }
0x1a5: {  	[sflag:s29] =	ssyncadd.s32 $0xFFFFF9C0  }
0x1a6: {  	_ =	swait.ge [sflag:s29], $0x640  }
0x1a7: {  	[sflag:s29] =	ssyncset.done $0x0  }
0x1a8: {  	[sflag:s29] =	ssyncadd.s32 $0xFFFFF9C0  }
0x1a9: {  	_ =	swait.ge [sflag:s29], $0x640  }
0x1aa: {  	[sflag:s29] =	ssyncset.done $0x0  }
0x1ab: {  	[sflag:s29] =	ssyncadd.s32 $0xFFFFF9C0  }
0x1ac: {  	p0 =	sne.s32 s31, $0x20;
	_ =	swait.ge [sflag:s29], $0x640  }
.Ltmp16:
0x1ad: {  	[sflag:s29] =	ssyncset.done $0x0;
	(pc) =	sbr.rel @p0 .LBB2_2-.Ltmp16, $4  }
0x1ae: {  	[sflag:s29] =	ssyncadd.s32 $0xFFFFF9C0  }
0x1af: {  	_ =	swait.ge [sflag:s29], $0x640  }
0x1b0: {  	[sflag:s29] =	ssyncset.done $0x0  }
0x1b1: {  	[sflag:s29] =	ssyncadd.s32 $0xFFFFF9C0  }
0x1b2: {  	s30 =	sadd.s32 $0x1, s30;
	s0 =	rddreg [dreg:$0x7]  }
0x1b3: {  	p0 =	sne.s32 s30, s0  }
.Ltmp17:
0x1b4: {  	_ = 	snop;
	(pc) =	sbr.rel @p0 .LBB2_1-.Ltmp17, $1  }
0x1b5: {  	_ =	sdelay $0x3  }
0x1b6: {  	_ =	sfence.sel $0x180000  }
0x1b7: {  	[bflag:$0x0] =	sbarrier.arrive $0xFFFF  }
0x1b8: {  	_ =	strace $0x90000047  }
0x1b9: {  	s0 =	stileid.u32;
	[bflag:$0x2] =	sbarrier.arrive $0xFFFF  }
0x1ba: {  	p0 =	sne.s32 s0, $0x0;
	s0 =	rddreg [dreg:$0x2]  }
0x1bb: {  	s0 =	sadd.s32 @!p0 $0x100000, s0  }
0x1bc: {  	[sflag:s0] =	ssyncadd.tile.s32 @!p0 $0x1;
	_ =	shalt  }
.Lfunc_end2:
_tile_overlayer_lowered:
.L_overlay_start_2:
0x1bd: {  	(tag) =	ssettag $0x2  }
0x1be: {  	s0 =	rddreg [dreg:$0x0];
	s2 =	stileid.u32  }
0x1bf: {  	s1 =	rddreg [dreg:$0x1];
	p0 =	sne.s32 s2, $0x0  }
0x1c0: {  	s3 =	rddreg [dreg:$0x2];
	[bflag:$0x3] =	sbarrier.arrive $0xFFFF;
	s2 =	simm.s32 @!p0 $0x1C07  }
0x1c1: {  	[timem:s3], [sflag:s2] =	dma.local @!p0 [hbm:s0], s1  }
0x1c2: {  	s0 =	simm.s32 @!p0 $0x7  }
0x1c3: {  	_ =	swait.ge @!p0 [sflag:s0], s1  }
0x1c4: {  	s1 =	ssub.s32 @!p0 $0x0, s1;
	[sflag:s0] =	ssyncset.done @!p0 $0x0  }
0x1c5: {  	[sflag:s0] =	ssyncadd.s32 @!p0 s1  }
0x1c6: {  	[bflag:$0x3] =	sbarrier.arrive $0xFFFF  }
0x1c7: {  	_ =	shalt  }

// kernel: sparse-core-data-format-call.cloned.1.call-start
scs
called_computation_lowered:
.L_overlay_start_0:
0x0: {  	s2 =	sld [smem:$0x3FD9]  }
0x1: {  	s3 =	sld [smem:$0x3FFE];
	_ =	sdelay $0x1  }
0x2: {  	s1 =	srdreg.scid  }
0x3: {  	s0 =	sand.u32 $0x1, s1  }
0x4: {  	s18 =	sshll.u32 s0, $0xA;
	s2 =	sadd.s32 s3, s2  }
0x5: {  	s2 =	sadd.s32 s2, s18  }
0x6: {  	[smem:$0x3FC5] =	sst s2  }
0x7: {  	_ = 	snop  }
0x8: {  	s2 =	sld [smem:$0x3FD0];
	(tm) =	ssettm $0x1  }
0x9: {  	s19 =	sld [smem:$0x3FFB];
	_ =	sdelay $0x3  }
0xa: {  	_ =	strace s19  }
0xb: {  	s3 =	sld [smem:$0x3FFC];
	_ =	sdelay $0x3  }
0xc: {  	_ =	strace s3  }
0xd: {  	s3 =	sld [smem:$0x3FFD];
	_ =	sdelay $0x3  }
0xe: {  	_ =	strace s3  }
0xf: {  	_ =	strace $0x8FFFFFFF  }
0x10: {  	s20 =	sld [smem:$0x3FDB];
	_ =	sdelay $0x1  }
0x11: {  	s4 =	simm.s32 $_scs_section_size  }
0x12: {  	s5 =	simm.s32 $_size__tile_overlayer_lowered;
	s6 =	simm.s32 $_tile_overlayer_lowered  }
0x13: {  	s23 =	simm.s32 $0x1BFF;
	s22 =	sshll.u32 s6, $0x1;
	s3 =	sadd.s32 s4, s20  }
0x14: {  	s7 =	simm.s32 $0x0;
	s21 =	sshll.u32 s5, $0x1;
	s5 =	sadd.s32 s22, s3  }
0x15: {  	[timem:s7], [sflag:s23] =	dma.local [hbm:s5], s21  }
0x16: {  	_ =	swait.ge [sflag:s23], s21  }
0x17: {  	s4 =	ssub.s32 $0x0, s21;
	[sflag:s23] =	ssyncset.done $0x0  }
0x18: {  	[sflag:s23] =	ssyncadd.s32 s4;
	_ =	sdelay $0x1  }
0x19: {  	s24 =	simm.s32 $0x1B8B  }
0x1a: {  	_ =	swait.ge [sflag:s24], $0x1  }
0x1b: {  	[sflag:s24] =	ssyncset.done $0x0  }
0x1c: {  	s26 =	simm.s32 $0x1B8E;
	s25 =	sld [smem:$0x3FFE];
	[sflag:s24] =	ssyncadd.s32 $0xFFFFFFFF  }
0x1d: {  	s27 =	simm.s32 $execute0_lowered;
	[smem:$0x3FD2] =	sst s26  }
0x1e: {  	s5 =	sshll.u32 s27, $0x1;
	_ =	strace $0x80000049;
	[dreg:$0x1] =	wrdreg $0xFFFFFFFF  }
0x1f: {  	s28 =	simm.s32 $_size_execute0_lowered;
	s3 =	sadd.s32 s3, s5;
	[dreg:$0x0] =	wrdreg $0x0  }
0x20: {  	s5 =	sshll.u32 s28, $0x1;
	[dreg:$0x2] =	wrdreg s3  }
0x21: {  	[dreg:$0x3] =	wrdreg s5  }
0x22: {  	[dreg:$0x4] =	wrdreg $0xC0  }
0x23: {  	_ =	task [dreg:s7], $0x5FFFF  }
0x24: {  	[dreg:$0x1] =	wrdreg $0xFFFFFFFF  }
0x25: {  	[dreg:$0x0] =	wrdreg $0x60  }
0x26: {  	[dreg:$0x2] =	wrdreg s25  }
0x27: {  	[dreg:$0x3] =	wrdreg s2  }
0x28: {  	[dreg:$0x4] =	wrdreg $0x9  }
0x29: {  	_ =	task.clear_ibuf [dreg:s7], $0x5FFFF;
	_ =	strace $0x90000049  }
0x2a: {  	s29 =	simm.s32 $0x9;
	_ =	strace $0x8000004B  }
0x2b: {  	_ =	swait.ge [sflag:s29], $0x1  }
0x2c: {  	[sflag:s29] =	ssyncadd.s32 $0xFFFFFFFF  }
0x2d: {  	_ =	strace $0x9000004B  }
0x2e: {  	_ =	sfence  }
0x2f: {  	s30 =	sld [smem:$0x0];
	_ =	sdelay $0x2  }
0x30: {  	s31 =	sshll.u32 s1, $0xD;
	s1 =	sshrl.u32 s1, $0x2  }
0x31: {  	s3 =	sand.u32 $0x4000, s31;
	s1 =	sadd.s32 s1, s30  }
0x32: {  	s0 =	sor.u32 s3, s0;
	s1 =	sshll.u32 s1, $0x11  }
0x33: {  	s0 =	sor.u32 s1, s0  }
0x34: {  	s0 =	sadd.s32 $0x8F2B, s0  }
0x35: {  	[sflag:s0] =	ssyncadd.remote.s32 $0x1  }
0x36: {  	_ =	sfence.sel $0xFFFF  }
0x37: {  	[dreg:$0x0] =	wrdreg $0xFFFFFFFF;
	(pc) =	sbr.abs _section_cstart, $3  }
0x38: {  	[dreg:$0x1] =	wrdreg $0xFFFFFFFF  }
0x39: {  	_ =	task.clear_ibuf [dreg:s7], $0x2FFFF;
	_ =	strace $0x9FFFFFFF  }
0x3a: {  	(tm) =	ssettm $0x7FFFFFFF  }
0x3b: {  	_ =	shalt  }
tec
execute0_lowered:
.L_overlay_start_1:
0x0: {  	(tag) =	ssettag $0x1  }
0x1: {  	s0 =	srdreg.scid  }
0x2: {  	s1 =	sshll.u32 s0, $0x4  }
0x3: {  	s0 =	stileid.u32;
	s1 =	sand.u32 $0x10, s1  }
0x4: {  	s1 =	sor.u32 s0, s1  }
0x5: {  	s6 =	rddreg [dreg:$0x0];
	s4 =	simm.s32 $0x1;
	s2 =	sshll.u32 s1, $0x7  }
0x6: {  	s7 =	simm.s32 $0x2;
	s12 =	simm.s32 $0x0;
	s1 =	ssub.s32 $0x4000, s2  }
0x7: {  	s8 =	simm.s32 $0x20000;
	s13 =	simm.s32 $0x0;
	s3 =	sand.u32 $0xF80, s1  }
0x8: {  	s9 =	simm.s32 $0x0;
	s5 =	sshrl.u32 s1, $0xC;
	p0 =	sne.s32 s3, $0x0  }
.Ltmp0:
0x9: {  	s1 =	rddreg [dreg:$0x2];
	s4 =	simm.s32 @!p0 $0x0;
	(pc) =	sbr.rel .LBB1_1-.Ltmp0, $4  }
0xa: {  	s11 =	simm.s32 $0x0;
	s3 =	rddreg [dreg:$0x1];
	s5 =	sadd.s32 s4, s5  }
0xb: {  	_ =	strace $0x8000004A;
	s4 =	simm.s32 $0x1;
	s5 =	smul.u32 $0x32, s5  }
0xc: {  	s6 =	sadd.s32 $0xE00, s6;
	s10 =	smov.u32 s2;
	[sflag:s4] =	ssyncpa.u1 $0x0  }
0xd: {  	p0 =	por $0x0, $0x0;
	[sflag:s7] =	ssyncpa.u1 $0x0;
	s7 =	sor.u32 $0x1, s5  }
.LBB1_4:
0xe: {  	s16 =	sshll.u32 s13, $0x3;
	s17 =	sand.u32 $0x78, s13  }
0xf: {  	s30 =	sand.u32 $0xF800, s13;
	s12 =	sshll.u32 s12, $0x10;
	s16 =	sand.u32 $0x3C00, s16  }
0x10: {  	s31 =	sand.u32 $0x7, s13;
	s16 =	sor.u32 s17, s16;
	s17 =	sadd.s32 s3, s30  }
0x11: {  	s13 =	sshll.u32 s31, $0x12;
	s16 =	sshrl.u32 s16, $0x3;
	s12 =	sadd.s32 s12, s17  }
0x12: {  	[tilespmem:s15+$0x0 ss:$0x81] =	vst.msk $0xffff, v0;
	s13 =	sor.u32 $0x400, s13;
	s12 =	sadd.s32 s16, s12  }
0x13: {  	[hbm4b:s12+s13] =	stream.strided.scatter [tilespmem:s14], [sflag:$0x2], $0x1000, s8, s13, $0x20;
	[tilespmem:$0x4040] =	vst v63  }
.LBB1_5:
0x14: {  	s14 =	sadd.s32 $0x1, s9  }
0x15: {  	s12 =	sadd.s32 $0x1000, s10;
	s16 =	smov.u32 s10;
	p2 =	sgt.s32 s14, $0x31  }
0x16: {  	s16 =	smov.u32 @p2 s12  }
0x17: {  	s14 =	simm.s32 @p2 $0x0;
	p2 =	sgt.s32 s16, $0x3FFF  }
0x18: {  	s16 =	smov.u32 @p2 s2;
	p2 =	sne.s32 s11, s7  }
.Ltmp1:
0x19: {  	p1 =	slt.u32 s11, $0x2;
	(pc) =	sbr.rel @!p2 .LBB1_6-.Ltmp1, $4  }
0x1a: {  	s15 =	simm.s32 @!p1 $0x2  }
0x1b: {  	s13 =	smov.u32 s10;
	p0 =	por !p0, !p0;
	_ =	swait.ge @!p1 [sflag:s15], $0x1000  }
0x1c: {  	s12 =	smov.u32 s9;
	[sflag:s15] =	ssyncset.done @!p1 $0x0;
	s9 =	smov.u32 s14  }
0x1d: {  	s11 =	sadd.s32 $0x1, s11;
	[sflag:s15] =	ssyncadd.s32 @!p1 $0xFFFFF000;
	s10 =	smov.u32 s16  }
.LBB1_1:
0x1e: {  	p1 =	sge.u32 s11, s5  }
0x1f: {  	s14 =	sand.u32 @!p1 $0x1FFFFFF, s9  }
0x20: {  	s15 =	smulhi.u32 @!p1 $0x4924925, s14;
	_ =	sdelay $0x1  }
0x21: {  	s15 =	smul.u32 @!p1 $0x38, s15  }
0x22: {  	s16 =	sxor.u32 @!p1 $0xFFFFFFFF, s11;
	s17 =	smul.u32 @!p1 $0x380, s10  }
0x23: {  	s31 =	sadd.s32 $0xFFFFFFFF, s11;
	s16 =	sshll.u32 @!p1 s16, $0xC;
	s14 =	ssub.s32 @!p1 s14, s15  }
0x24: {  	s15 =	sand.u32 @!p1 $0x1000, s16;
	s16 =	sadd.s32 @!p1 s6, s17;
	s14 =	sshll.u32 @!p1 s14, $0x4  }
0x25: {  	s17 =	simm.s32 @!p1 $0x1C00;
	s14 =	sadd.s32 @!p1 s14, s16;
	s16 =	simm.s32 @!p1 $0x20  }
0x26: {  	[tilespmem:s15], [sflag:$0x1] =	stream.strided.gather @!p1 [hbm4b:s14+s16], $0x1000, s17, s16, $0x38;
	[tilespmem:$0x4040] =	vst v63  }
0x27: {  	p1 =	sge.u32 s31, s5  }
.Ltmp2:
0x28: {  	_ = 	snop;
	(pc) =	sbr.rel @p1 .LBB1_5-.Ltmp2, $1  }
0x29: {  	_ =	sdelay $0x3  }
0x2a: {  	s14 =	simm.s32 $0x1  }
0x2b: {  	_ =	swait.ge [sflag:s4], $0x1000;
	s14 =	simm.s32 @!p0 $0x0  }
0x2c: {  	[sflag:s4] =	ssyncset.done $0x0;
	s15 =	sshll.u32 s14, $0xC  }
0x2d: {  	[sflag:s4] =	ssyncadd.s32 $0xFFFFF000;
	s18 =	sor.u32 $0x10, s15  }
0x2e: {  	s14 =	smul.u32 $0x4080, s14;
	v1 =	vld [tilespmem:s18+$0x0]  }
0x2f: {  	s30 =	sand.u32 $0x1, s11;
	v0 =	vld [tilespmem:s18+$0xFFFFFFF0]  }
0x30: {  	s15 =	smul.u32 $0x4080, s30;
	s14 =	sshrl.u32 s14, $0x2  }
0x31: {  	s16 =	sor.u32 $0x2000, s14  }
0x32: {  	s31 =	sshrl.u32 s15, $0x2;
	s15 =	sadd.s32 $0x0, s16  }
0x33: {  	s17 =	simm.s32 $0x4;
	s18 =	sadd.s32 $0x20, s18;
	s14 =	sor.u32 $0x2000, s31;
	[tilespmem:s15+$0x810 ss:$0x81] =	vst.msk $0xffff, v1  }
.LBB1_3:
0x34: {  	v1 =	vld [tilespmem:s18+$0x0];
	p1 =	sne.s32 s17, $0x1FC;
	[tilespmem:s15+$0x0 ss:$0x81] =	vst.msk $0xffff, v0;
	s15 =	smov.u32 s17;
	s17 =	sadd.s32 $0x4, s17  }
.Ltmp3:
0x35: {  	v0 =	vld [tilespmem:s18+$0xFFFFFFF0];
	(pc) =	sbr.rel @p1 .LBB1_3-.Ltmp3, $4  }
0x36: {  	_ = 	snop  }
0x37: {  	s15 =	sshra.s32 s15, $0x2  }
0x38: {  	s15 =	sadd.s32 s15, s16  }
0x39: {  	s18 =	sadd.s32 $0x20, s18;
	[tilespmem:s15+$0x810 ss:$0x81] =	vst.msk $0xffff, v1  }
.Ltmp4:
0x3a: {  	_ = 	snop;
	(pc) =	sbr.rel .LBB1_4-.Ltmp4, $1  }
0x3b: {  	_ =	sdelay $0x3  }
.LBB1_6:
0x3c: {  	_ =	sfence.sel $0x180000  }
0x3d: {  	s2 =	simm.s32 $0x1;
	[bflag:$0x0] =	sbarrier.arrive $0xFFFF  }
0x3e: {  	s31 =	simm.s32 $0x2;
	[sflag:s2] =	ssyncpa.u1 $0x1  }
0x3f: {  	[sflag:s31] =	ssyncpa.u1 $0x1  }
0x40: {  	p0 =	sne.s32 s0, $0x0;
	_ =	strace $0x9000004A  }
0x41: {  	s0 =	sadd.s32 @!p0 $0x100000, s1;
	[bflag:$0x2] =	sbarrier.arrive $0xFFFF  }
0x42: {  	[sflag:s0] =	ssyncadd.tile.s32 @!p0 $0x1;
	_ =	shalt  }
.Lfunc_end1:
_tile_overlayer_lowered:
.L_overlay_start_2:
0x43: {  	(tag) =	ssettag $0x2  }
0x44: {  	s0 =	rddreg [dreg:$0x0];
	s2 =	stileid.u32  }
0x45: {  	s1 =	rddreg [dreg:$0x1];
	p0 =	sne.s32 s2, $0x0  }
0x46: {  	s3 =	rddreg [dreg:$0x2];
	[bflag:$0x3] =	sbarrier.arrive $0xFFFF;
	s2 =	simm.s32 @!p0 $0x1C01  }
0x47: {  	[timem:s3], [sflag:s2] =	dma.local @!p0 [hbm:s0], s1  }
0x48: {  	s0 =	simm.s32 @!p0 $0x1  }
0x49: {  	_ =	swait.ge @!p0 [sflag:s0], s1  }
0x4a: {  	s1 =	ssub.s32 @!p0 $0x0, s1;
	[sflag:s0] =	ssyncset.done @!p0 $0x0  }
0x4b: {  	[sflag:s0] =	ssyncadd.s32 @!p0 s1  }
0x4c: {  	[bflag:$0x3] =	sbarrier.arrive $0xFFFF  }
0x4d: {  	_ =	shalt  }

</sc_bundles>
